<compile_context>
chip_gen: v7x
topology: tpu7x:2x2x1
jax: 0.10.2.dev20260603
libtpu: 0.0.44.dev20260713+nightly
codegen_flags: <defaults>
</compile_context>

<pallas_src>
import functools

import jax
import jax.numpy as jnp
from jax import lax
from jax.experimental import pallas as pl
from jax.experimental.pallas import tpu as pltpu
from jax.experimental.pallas import tpu_sc as plsc


def _rank_body(nrow_ref, restore_ref, mask_ref, keep_ref, *, L, K, R):
    i = pl.program_id(0)
    rows = nrow_ref[...].reshape(R, L)
    colsT = jnp.transpose(rows)
    ki = lax.broadcasted_iota(jnp.int32, (L, L), 0)
    ji = lax.broadcasted_iota(jnp.int32, (L, L), 1)
    kltj = ki < ji
    ranks = []
    for r in range(R):
        row = rows[r:r + 1, :]
        col = colsT[:, r:r + 1]
        lt = col < row
        eq = col == row
        prec = jnp.logical_or(lt, jnp.logical_and(eq, kltj))
        ranks.append(jnp.sum(prec.astype(jnp.int32), axis=0, keepdims=True))
    rank = jnp.concatenate(ranks, axis=0)
    restore_ref[...] = rank.reshape(1, R, L)
    mask_ref[...] = (rank >= K).astype(jnp.float32).reshape(1, R, L)
    rank3 = rank.reshape(R, 1, L)
    ri = lax.broadcasted_iota(jnp.int32, (R, K, L), 1)
    hit = rank3 == ri
    joff = lax.broadcasted_iota(jnp.int32, (R, K, L), 2) + (
        lax.broadcasted_iota(jnp.int32, (R, K, L), 0) + i * R) * L
    keep = jnp.sum(jnp.where(hit, joff, 0), axis=2)
    keep_ref[...] = keep.reshape(1, R, K)


def _make_rank_call(N, L, K, R):
    body = functools.partial(_rank_body, L=L, K=K, R=R)
    G = N // R
    return pl.pallas_call(
        body,
        grid=(G,),
        in_specs=[
            pl.BlockSpec((1, R, L), lambda i: (i, 0, 0)),
        ],
        out_specs=[
            pl.BlockSpec((1, R, L), lambda i: (i, 0, 0)),
            pl.BlockSpec((1, R, L), lambda i: (i, 0, 0)),
            pl.BlockSpec((1, R, K), lambda i: (i, 0, 0)),
        ],
        out_shape=[
            jax.ShapeDtypeStruct((G, R, L), jnp.int32),
            jax.ShapeDtypeStruct((G, R, L), jnp.float32),
            jax.ShapeDtypeStruct((G, R, K), jnp.int32),
        ],
    )


def _make_gather_call(N, L, D, K, R):
    info = plsc.get_sparse_core_info()
    NC, NS = info.num_cores, info.num_subcores
    NW = NC * NS
    G = N // R
    ROWS_W = N // NW
    b_per_w = ROWS_W * K
    CH = 32
    NBUF = 5
    AHEAD = 3
    assert b_per_w % CH == 0
    NCH = b_per_w // CH
    CPR = K // CH
    assert NCH >= NBUF
    mesh = plsc.VectorSubcoreMesh(core_axis_name="c", subcore_axis_name="s")

    @functools.partial(
        pl.kernel,
        mesh=mesh,
        out_type=jax.ShapeDtypeStruct((N * K, D), jnp.float32),
        scratch_types=[
            pltpu.VMEM((ROWS_W, K), jnp.int32),
            [pltpu.VMEM((CH, D), jnp.float32)] * NBUF,
            [pltpu.SemaphoreType.DMA] * NBUF,
            [pltpu.SemaphoreType.DMA] * NBUF,
        ],
    )
    def gather_k(x_hbm, idx_hbm, out_hbm, idx_v, bufs, gsem, wsem):
        wid = lax.axis_index("s") * NC + lax.axis_index("c")
        base = wid * b_per_w
        wpb = R // ROWS_W
        gw = lax.shift_right_logical(wid, wpb.bit_length() - 1)
        rw = jnp.bitwise_and(wid, wpb - 1) * ROWS_W
        pltpu.sync_copy(idx_hbm.at[gw, pl.ds(rw, ROWS_W)], idx_v)

        def idx_slice(c):
            return idx_v.at[c // CPR, pl.ds((c % CPR) * CH, CH)]

        gath = [None] * NBUF
        wrt = [None] * NBUF
        for c in range(AHEAD):
            gath[c] = pltpu.async_copy(
                x_hbm.at[idx_slice(c)], bufs[c], gsem[c])
        for c in range(NCH):
            b = c % NBUF
            gath[b].wait()
            wrt[b] = pltpu.async_copy(
                bufs[b], out_hbm.at[pl.ds(base + c * CH, CH)], wsem[b])
            g = c + AHEAD
            if g < NCH:
                bg = g % NBUF
                if wrt[bg] is not None:
                    wrt[bg].wait()
                gath[bg] = pltpu.async_copy(
                    x_hbm.at[idx_slice(g)], bufs[bg], gsem[bg])
        for k in range(max(0, NCH - NBUF), NCH):
            wrt[k % NBUF].wait()

    return gather_k


def kernel(x, noise):
    N, L, D = x.shape
    K = L - int(L * 0.75)
    R = 16
    rank_call = _make_rank_call(N, L, K, R)
    restore3, mask3, keep3 = rank_call(noise.reshape(N // R, R, L))
    ids_restore = restore3.reshape(N, L)
    mask = mask3.reshape(N, L)

    gather_k = _make_gather_call(N, L, D, K, R)
    x_masked = gather_k(x.reshape(N * L, D), keep3)
    return x_masked.reshape(N, K, D), mask, ids_restore

# --- scband reference (transcript-rebuilt; emitter-appended) ---
"""Pipeline reference for scband-random-masking-42623255446179 (READ-ONLY COPY).

The authoritative reference and input builder live on the scoring server;
editing this copy changes nothing except your own understanding.
"""

import jax, jax.numpy as jnp
import numpy as np

MASK_RATIO = 0.75

def setup_inputs(seed: int = 0) -> dict:
    key = jax.random.key(seed)
    kx, kn = jax.random.split(key)
    N, L, D = 64, 1024, 768
    x = jax.random.normal(kx, (N, L, D), dtype=jnp.float32)
    # torch.rand(N, L) inside forward -> materialized here for determinism
    noise = jax.random.uniform(kn, (N, L), dtype=jnp.float32)
    return {"x": x, "noise": noise}

def reference(x, noise):
    N, L, D = x.shape
    len_keep = int(L * (1 - MASK_RATIO))
    ids_shuffle = jnp.argsort(noise, axis=1)
    ids_restore = jnp.argsort(ids_shuffle, axis=1)
    ids_keep = ids_shuffle[:, :len_keep]
    gather_idx = jnp.broadcast_to(ids_keep[:, :, None], (N, len_keep, D))
    x_masked = jnp.take_along_axis(x, gather_idx, axis=1)
    mask = jnp.ones((N, L), dtype=jnp.float32)
    mask = mask.at[:, :len_keep].set(0.0)
    mask = jnp.take_along_axis(mask, ids_restore, axis=1)
    return (x_masked, mask, ids_restore)

if __name__ == "__main__":
    import jax
    _d = setup_inputs()
    print(jax.jit(kernel)(*tuple(_d.values())))

</pallas_src>

<mosaic_0001>
#map = affine_map<(d0, d1) -> (0, 0)>
#map1 = affine_map<(d0, d1) -> (0, 0, 0)>
module attributes {stable_mosaic.version = 14 : i64} {
  func.func @gather_k(%arg0: i32, %arg1: i32, %arg2: memref<65536x768xf32, #tpu.memory_space<hbm>>, %arg3: memref<4x16x256xi32, #tpu.memory_space<hbm>>, %arg4: memref<16384x768xf32, #tpu.memory_space<hbm>>, %arg5: memref<2x256xi32, #tpu.memory_space<vmem>>, %arg6: memref<32x768xf32, #tpu.memory_space<vmem>>, %arg7: memref<32x768xf32, #tpu.memory_space<vmem>>, %arg8: memref<32x768xf32, #tpu.memory_space<vmem>>, %arg9: memref<32x768xf32, #tpu.memory_space<vmem>>, %arg10: memref<32x768xf32, #tpu.memory_space<vmem>>, %arg11: memref<!tpu.dma_semaphore, #tpu.memory_space<semaphore_mem>>, %arg12: memref<!tpu.dma_semaphore, #tpu.memory_space<semaphore_mem>>, %arg13: memref<!tpu.dma_semaphore, #tpu.memory_space<semaphore_mem>>, %arg14: memref<!tpu.dma_semaphore, #tpu.memory_space<semaphore_mem>>, %arg15: memref<!tpu.dma_semaphore, #tpu.memory_space<semaphore_mem>>, %arg16: memref<!tpu.dma_semaphore, #tpu.memory_space<semaphore_mem>>, %arg17: memref<!tpu.dma_semaphore, #tpu.memory_space<semaphore_mem>>, %arg18: memref<!tpu.dma_semaphore, #tpu.memory_space<semaphore_mem>>, %arg19: memref<!tpu.dma_semaphore, #tpu.memory_space<semaphore_mem>>, %arg20: memref<!tpu.dma_semaphore, #tpu.memory_space<semaphore_mem>>) attributes {dimension_semantics = [#tpu.dimension_semantics<core_parallel>, #tpu.dimension_semantics<subcore_parallel>], iteration_bounds = array<i64: 2, 16>, scalar_prefetch = 0 : i64, scratch_operands = 16 : i64, tpu.core_type = #tpu.core_type<sc_vector_subcore>, window_params = [{transform_indices = #map}, {transform_indices = #map1}, {transform_indices = #map}]} {
    %mul3A = arith.constant 2 : i32
    %mul3A_0 = arith.muli %arg1, %mul3A : i32
    %add3A = arith.addi %mul3A_0, %arg0 : i32
    %mul3A_1 = arith.constant 512 : i32
    %mul3A_2 = arith.muli %add3A, %mul3A_1 : i32
    %shift_right_logical3A = arith.constant 3 : i32
    %shift_right_logical3A_3 = arith.shrui %add3A, %shift_right_logical3A : i32
    %and3A = arith.constant 7 : i32
    %and3A_4 = arith.andi %add3A, %and3A : i32
    %mul3A_5 = arith.constant 2 : i32
    %mul3A_6 = arith.muli %and3A_4, %mul3A_5 : i32
    "tpu.region"() ({
      %run_scoped3A = tpu.sem_alloc : memref<!tpu.dma_semaphore, #tpu.memory_space<semaphore_mem>>
      %dma_start3A_389 = arith.constant 0 : i32
      %dma_start3A_390 = tpu.memref_slice %arg3[%shift_right_logical3A_3, %mul3A_6, %dma_start3A_389] : memref<4x16x256xi32, #tpu.memory_space<hbm>> -> memref<1x2x256xi32, #tpu.memory_space<hbm>>
      %dma_start3A_391 = tpu.memref_squeeze %dma_start3A_390 : memref<1x2x256xi32, #tpu.memory_space<hbm>> -> memref<2x256xi32, #tpu.memory_space<hbm>>
      %dma_start3A_392 = arith.constant 0 : i32
      %dma_start3A_393 = tpu.memref_slice %arg3[%shift_right_logical3A_3, %mul3A_6, %dma_start3A_392] : memref<4x16x256xi32, #tpu.memory_space<hbm>> -> memref<1x2x256xi32, #tpu.memory_space<hbm>>
      %dma_start3A_394 = tpu.memref_squeeze %dma_start3A_393 : memref<1x2x256xi32, #tpu.memory_space<hbm>> -> memref<2x256xi32, #tpu.memory_space<hbm>>
      tpu.enqueue_dma source(%dma_start3A_394 : memref<2x256xi32, #tpu.memory_space<hbm>>) target(%arg5 : memref<2x256xi32, #tpu.memory_space<vmem>>) target_semaphore(%run_scoped3A : memref<!tpu.dma_semaphore, #tpu.memory_space<semaphore_mem>>)
      %dma_wait3A_395 = arith.constant 0 : i32
      %dma_wait3A_396 = tpu.memref_slice %arg3[%shift_right_logical3A_3, %mul3A_6, %dma_wait3A_395] : memref<4x16x256xi32, #tpu.memory_space<hbm>> -> memref<1x2x256xi32, #tpu.memory_space<hbm>>
      %dma_wait3A_397 = tpu.memref_squeeze %dma_wait3A_396 : memref<1x2x256xi32, #tpu.memory_space<hbm>> -> memref<2x256xi32, #tpu.memory_space<hbm>>
      %dma_wait3A_398 = arith.constant 0 : i32
      %dma_wait3A_399 = tpu.memref_slice %arg3[%shift_right_logical3A_3, %mul3A_6, %dma_wait3A_398] : memref<4x16x256xi32, #tpu.memory_space<hbm>> -> memref<1x2x256xi32, #tpu.memory_space<hbm>>
      %dma_wait3A_400 = tpu.memref_squeeze %dma_wait3A_399 : memref<1x2x256xi32, #tpu.memory_space<hbm>> -> memref<2x256xi32, #tpu.memory_space<hbm>>
      tpu.wait_dma2 semaphore(%run_scoped3A : memref<!tpu.dma_semaphore, #tpu.memory_space<semaphore_mem>>) src(%dma_wait3A_400 : memref<2x256xi32, #tpu.memory_space<hbm>>) dst(%arg5 : memref<2x256xi32, #tpu.memory_space<vmem>>)
      tpu.yield
    }) : () -> ()
    %dma_start3A = arith.constant 0 : i32
    %dma_start3A_7 = arith.constant 0 : i32
    %dma_start3A_8 = tpu.memref_slice %arg5[%dma_start3A, %dma_start3A_7] : memref<2x256xi32, #tpu.memory_space<vmem>> -> memref<1x32xi32, #tpu.memory_space<vmem>>
    %dma_start3A_9 = tpu.memref_squeeze %dma_start3A_8 : memref<1x32xi32, #tpu.memory_space<vmem>> -> memref<32xi32, #tpu.memory_space<vmem>>
    %dma_start3A_10 = arith.constant 0 : i32
    %dma_start3A_11 = arith.constant 0 : i32
    %dma_start3A_12 = tpu.memref_slice %arg2[%dma_start3A_10, %dma_start3A_11] : memref<65536x768xf32, #tpu.memory_space<hbm>> -> memref<65536x768xf32, #tpu.memory_space<hbm>>
    tpu.enqueue_indirect_dma source(%dma_start3A_12 : memref<65536x768xf32, #tpu.memory_space<hbm>>) target(%arg6 : memref<32x768xf32, #tpu.memory_space<vmem>>) offsets(%dma_start3A_9 : memref<32xi32, #tpu.memory_space<vmem>>) semaphore(%arg11 : memref<!tpu.dma_semaphore, #tpu.memory_space<semaphore_mem>>)
    %dma_start3A_13 = arith.constant 0 : i32
    %dma_start3A_14 = arith.constant 32 : i32
    %dma_start3A_15 = tpu.memref_slice %arg5[%dma_start3A_13, %dma_start3A_14] : memref<2x256xi32, #tpu.memory_space<vmem>> -> memref<1x32xi32, #tpu.memory_space<vmem>>
    %dma_start3A_16 = tpu.memref_squeeze %dma_start3A_15 : memref<1x32xi32, #tpu.memory_space<vmem>> -> memref<32xi32, #tpu.memory_space<vmem>>
    %dma_start3A_17 = arith.constant 0 : i32
    %dma_start3A_18 = arith.constant 0 : i32
    %dma_start3A_19 = tpu.memref_slice %arg2[%dma_start3A_17, %dma_start3A_18] : memref<65536x768xf32, #tpu.memory_space<hbm>> -> memref<65536x768xf32, #tpu.memory_space<hbm>>
    tpu.enqueue_indirect_dma source(%dma_start3A_19 : memref<65536x768xf32, #tpu.memory_space<hbm>>) target(%arg7 : memref<32x768xf32, #tpu.memory_space<vmem>>) offsets(%dma_start3A_16 : memref<32xi32, #tpu.memory_space<vmem>>) semaphore(%arg12 : memref<!tpu.dma_semaphore, #tpu.memory_space<semaphore_mem>>)
    %dma_start3A_20 = arith.constant 0 : i32
    %dma_start3A_21 = arith.constant 64 : i32
    %dma_start3A_22 = tpu.memref_slice %arg5[%dma_start3A_20, %dma_start3A_21] : memref<2x256xi32, #tpu.memory_space<vmem>> -> memref<1x32xi32, #tpu.memory_space<vmem>>
    %dma_start3A_23 = tpu.memref_squeeze %dma_start3A_22 : memref<1x32xi32, #tpu.memory_space<vmem>> -> memref<32xi32, #tpu.memory_space<vmem>>
    %dma_start3A_24 = arith.constant 0 : i32
    %dma_start3A_25 = arith.constant 0 : i32
    %dma_start3A_26 = tpu.memref_slice %arg2[%dma_start3A_24, %dma_start3A_25] : memref<65536x768xf32, #tpu.memory_space<hbm>> -> memref<65536x768xf32, #tpu.memory_space<hbm>>
    tpu.enqueue_indirect_dma source(%dma_start3A_26 : memref<65536x768xf32, #tpu.memory_space<hbm>>) target(%arg8 : memref<32x768xf32, #tpu.memory_space<vmem>>) offsets(%dma_start3A_23 : memref<32xi32, #tpu.memory_space<vmem>>) semaphore(%arg13 : memref<!tpu.dma_semaphore, #tpu.memory_space<semaphore_mem>>)
    %dma_wait3A = arith.constant 0 : i32
    %dma_wait3A_27 = arith.constant 0 : i32
    %dma_wait3A_28 = tpu.memref_slice %arg5[%dma_wait3A, %dma_wait3A_27] : memref<2x256xi32, #tpu.memory_space<vmem>> -> memref<1x32xi32, #tpu.memory_space<vmem>>
    %dma_wait3A_29 = tpu.memref_squeeze %dma_wait3A_28 : memref<1x32xi32, #tpu.memory_space<vmem>> -> memref<32xi32, #tpu.memory_space<vmem>>
    %dma_wait3A_30 = arith.constant 0 : i32
    %dma_wait3A_31 = arith.constant 0 : i32
    %dma_wait3A_32 = tpu.memref_slice %arg2[%dma_wait3A_30, %dma_wait3A_31] : memref<65536x768xf32, #tpu.memory_space<hbm>> -> memref<65536x768xf32, #tpu.memory_space<hbm>>
    tpu.wait_indirect_dma semaphore(%arg11 : memref<!tpu.dma_semaphore, #tpu.memory_space<semaphore_mem>>) src(%dma_wait3A_32 : memref<65536x768xf32, #tpu.memory_space<hbm>>) dst(%arg6 : memref<32x768xf32, #tpu.memory_space<vmem>>)
    %add3A_33 = arith.constant 0 : i32
    %add3A_34 = arith.addi %mul3A_2, %add3A_33 : i32
    %dma_start3A_35 = arith.constant 0 : i32
    %dma_start3A_36 = tpu.memref_slice %arg4[%add3A_34, %dma_start3A_35] : memref<16384x768xf32, #tpu.memory_space<hbm>> -> memref<32x768xf32, #tpu.memory_space<hbm>>
    %dma_start3A_37 = arith.constant 0 : i32
    %dma_start3A_38 = tpu.memref_slice %arg4[%add3A_34, %dma_start3A_37] : memref<16384x768xf32, #tpu.memory_space<hbm>> -> memref<32x768xf32, #tpu.memory_space<hbm>>
    tpu.enqueue_dma source(%arg6 : memref<32x768xf32, #tpu.memory_space<vmem>>) target(%dma_start3A_38 : memref<32x768xf32, #tpu.memory_space<hbm>>) target_semaphore(%arg16 : memref<!tpu.dma_semaphore, #tpu.memory_space<semaphore_mem>>)
    %dma_start3A_39 = arith.constant 0 : i32
    %dma_start3A_40 = arith.constant 96 : i32
    %dma_start3A_41 = tpu.memref_slice %arg5[%dma_start3A_39, %dma_start3A_40] : memref<2x256xi32, #tpu.memory_space<vmem>> -> memref<1x32xi32, #tpu.memory_space<vmem>>
    %dma_start3A_42 = tpu.memref_squeeze %dma_start3A_41 : memref<1x32xi32, #tpu.memory_space<vmem>> -> memref<32xi32, #tpu.memory_space<vmem>>
    %dma_start3A_43 = arith.constant 0 : i32
    %dma_start3A_44 = arith.constant 0 : i32
    %dma_start3A_45 = tpu.memref_slice %arg2[%dma_start3A_43, %dma_start3A_44] : memref<65536x768xf32, #tpu.memory_space<hbm>> -> memref<65536x768xf32, #tpu.memory_space<hbm>>
    tpu.enqueue_indirect_dma source(%dma_start3A_45 : memref<65536x768xf32, #tpu.memory_space<hbm>>) target(%arg9 : memref<32x768xf32, #tpu.memory_space<vmem>>) offsets(%dma_start3A_42 : memref<32xi32, #tpu.memory_space<vmem>>) semaphore(%arg14 : memref<!tpu.dma_semaphore, #tpu.memory_space<semaphore_mem>>)
    %dma_wait3A_46 = arith.constant 0 : i32
    %dma_wait3A_47 = arith.constant 32 : i32
    %dma_wait3A_48 = tpu.memref_slice %arg5[%dma_wait3A_46, %dma_wait3A_47] : memref<2x256xi32, #tpu.memory_space<vmem>> -> memref<1x32xi32, #tpu.memory_space<vmem>>
    %dma_wait3A_49 = tpu.memref_squeeze %dma_wait3A_48 : memref<1x32xi32, #tpu.memory_space<vmem>> -> memref<32xi32, #tpu.memory_space<vmem>>
    %dma_wait3A_50 = arith.constant 0 : i32
    %dma_wait3A_51 = arith.constant 0 : i32
    %dma_wait3A_52 = tpu.memref_slice %arg2[%dma_wait3A_50, %dma_wait3A_51] : memref<65536x768xf32, #tpu.memory_space<hbm>> -> memref<65536x768xf32, #tpu.memory_space<hbm>>
    tpu.wait_indirect_dma semaphore(%arg12 : memref<!tpu.dma_semaphore, #tpu.memory_space<semaphore_mem>>) src(%dma_wait3A_52 : memref<65536x768xf32, #tpu.memory_space<hbm>>) dst(%arg7 : memref<32x768xf32, #tpu.memory_space<vmem>>)
    %add3A_53 = arith.constant 32 : i32
    %add3A_54 = arith.addi %mul3A_2, %add3A_53 : i32
    %dma_start3A_55 = arith.constant 0 : i32
    %dma_start3A_56 = tpu.memref_slice %arg4[%add3A_54, %dma_start3A_55] : memref<16384x768xf32, #tpu.memory_space<hbm>> -> memref<32x768xf32, #tpu.memory_space<hbm>>
    %dma_start3A_57 = arith.constant 0 : i32
    %dma_start3A_58 = tpu.memref_slice %arg4[%add3A_54, %dma_start3A_57] : memref<16384x768xf32, #tpu.memory_space<hbm>> -> memref<32x768xf32, #tpu.memory_space<hbm>>
    tpu.enqueue_dma source(%arg7 : memref<32x768xf32, #tpu.memory_space<vmem>>) target(%dma_start3A_58 : memref<32x768xf32, #tpu.memory_space<hbm>>) target_semaphore(%arg17 : memref<!tpu.dma_semaphore, #tpu.memory_space<semaphore_mem>>)
    %dma_start3A_59 = arith.constant 0 : i32
    %dma_start3A_60 = arith.constant 128 : i32
    %dma_start3A_61 = tpu.memref_slice %arg5[%dma_start3A_59, %dma_start3A_60] : memref<2x256xi32, #tpu.memory_space<vmem>> -> memref<1x32xi32, #tpu.memory_space<vmem>>
    %dma_start3A_62 = tpu.memref_squeeze %dma_start3A_61 : memref<1x32xi32, #tpu.memory_space<vmem>> -> memref<32xi32, #tpu.memory_space<vmem>>
    %dma_start3A_63 = arith.constant 0 : i32
    %dma_start3A_64 = arith.constant 0 : i32
    %dma_start3A_65 = tpu.memref_slice %arg2[%dma_start3A_63, %dma_start3A_64] : memref<65536x768xf32, #tpu.memory_space<hbm>> -> memref<65536x768xf32, #tpu.memory_space<hbm>>
    tpu.enqueue_indirect_dma source(%dma_start3A_65 : memref<65536x768xf32, #tpu.memory_space<hbm>>) target(%arg10 : memref<32x768xf32, #tpu.memory_space<vmem>>) offsets(%dma_start3A_62 : memref<32xi32, #tpu.memory_space<vmem>>) semaphore(%arg15 : memref<!tpu.dma_semaphore, #tpu.memory_space<semaphore_mem>>)
    %dma_wait3A_66 = arith.constant 0 : i32
    %dma_wait3A_67 = arith.constant 64 : i32
    %dma_wait3A_68 = tpu.memref_slice %arg5[%dma_wait3A_66, %dma_wait3A_67] : memref<2x256xi32, #tpu.memory_space<vmem>> -> memref<1x32xi32, #tpu.memory_space<vmem>>
    %dma_wait3A_69 = tpu.memref_squeeze %dma_wait3A_68 : memref<1x32xi32, #tpu.memory_space<vmem>> -> memref<32xi32, #tpu.memory_space<vmem>>
    %dma_wait3A_70 = arith.constant 0 : i32
    %dma_wait3A_71 = arith.constant 0 : i32
    %dma_wait3A_72 = tpu.memref_slice %arg2[%dma_wait3A_70, %dma_wait3A_71] : memref<65536x768xf32, #tpu.memory_space<hbm>> -> memref<65536x768xf32, #tpu.memory_space<hbm>>
    tpu.wait_indirect_dma semaphore(%arg13 : memref<!tpu.dma_semaphore, #tpu.memory_space<semaphore_mem>>) src(%dma_wait3A_72 : memref<65536x768xf32, #tpu.memory_space<hbm>>) dst(%arg8 : memref<32x768xf32, #tpu.memory_space<vmem>>)
    %add3A_73 = arith.constant 64 : i32
    %add3A_74 = arith.addi %mul3A_2, %add3A_73 : i32
    %dma_start3A_75 = arith.constant 0 : i32
    %dma_start3A_76 = tpu.memref_slice %arg4[%add3A_74, %dma_start3A_75] : memref<16384x768xf32, #tpu.memory_space<hbm>> -> memref<32x768xf32, #tpu.memory_space<hbm>>
    %dma_start3A_77 = arith.constant 0 : i32
    %dma_start3A_78 = tpu.memref_slice %arg4[%add3A_74, %dma_start3A_77] : memref<16384x768xf32, #tpu.memory_space<hbm>> -> memref<32x768xf32, #tpu.memory_space<hbm>>
    tpu.enqueue_dma source(%arg8 : memref<32x768xf32, #tpu.memory_space<vmem>>) target(%dma_start3A_78 : memref<32x768xf32, #tpu.memory_space<hbm>>) target_semaphore(%arg18 : memref<!tpu.dma_semaphore, #tpu.memory_space<semaphore_mem>>)
    %dma_wait3A_79 = arith.constant 0 : i32
    %dma_wait3A_80 = tpu.memref_slice %arg4[%add3A_34, %dma_wait3A_79] : memref<16384x768xf32, #tpu.memory_space<hbm>> -> memref<32x768xf32, #tpu.memory_space<hbm>>
    %dma_wait3A_81 = arith.constant 0 : i32
    %dma_wait3A_82 = tpu.memref_slice %arg4[%add3A_34, %dma_wait3A_81] : memref<16384x768xf32, #tpu.memory_space<hbm>> -> memref<32x768xf32, #tpu.memory_space<hbm>>
    tpu.wait_dma2 semaphore(%arg16 : memref<!tpu.dma_semaphore, #tpu.memory_space<semaphore_mem>>) src(%arg6 : memref<32x768xf32, #tpu.memory_space<vmem>>) dst(%dma_wait3A_82 : memref<32x768xf32, #tpu.memory_space<hbm>>)
    %dma_start3A_83 = arith.constant 0 : i32
    %dma_start3A_84 = arith.constant 160 : i32
    %dma_start3A_85 = tpu.memref_slice %arg5[%dma_start3A_83, %dma_start3A_84] : memref<2x256xi32, #tpu.memory_space<vmem>> -> memref<1x32xi32, #tpu.memory_space<vmem>>
    %dma_start3A_86 = tpu.memref_squeeze %dma_start3A_85 : memref<1x32xi32, #tpu.memory_space<vmem>> -> memref<32xi32, #tpu.memory_space<vmem>>
    %dma_start3A_87 = arith.constant 0 : i32
    %dma_start3A_88 = arith.constant 0 : i32
    %dma_start3A_89 = tpu.memref_slice %arg2[%dma_start3A_87, %dma_start3A_88] : memref<65536x768xf32, #tpu.memory_space<hbm>> -> memref<65536x768xf32, #tpu.memory_space<hbm>>
    tpu.enqueue_indirect_dma source(%dma_start3A_89 : memref<65536x768xf32, #tpu.memory_space<hbm>>) target(%arg6 : memref<32x768xf32, #tpu.memory_space<vmem>>) offsets(%dma_start3A_86 : memref<32xi32, #tpu.memory_space<vmem>>) semaphore(%arg11 : memref<!tpu.dma_semaphore, #tpu.memory_space<semaphore_mem>>)
    %dma_wait3A_90 = arith.constant 0 : i32
    %dma_wait3A_91 = arith.constant 96 : i32
    %dma_wait3A_92 = tpu.memref_slice %arg5[%dma_wait3A_90, %dma_wait3A_91] : memref<2x256xi32, #tpu.memory_space<vmem>> -> memref<1x32xi32, #tpu.memory_space<vmem>>
    %dma_wait3A_93 = tpu.memref_squeeze %dma_wait3A_92 : memref<1x32xi32, #tpu.memory_space<vmem>> -> memref<32xi32, #tpu.memory_space<vmem>>
    %dma_wait3A_94 = arith.constant 0 : i32
    %dma_wait3A_95 = arith.constant 0 : i32
    %dma_wait3A_96 = tpu.memref_slice %arg2[%dma_wait3A_94, %dma_wait3A_95] : memref<65536x768xf32, #tpu.memory_space<hbm>> -> memref<65536x768xf32, #tpu.memory_space<hbm>>
    tpu.wait_indirect_dma semaphore(%arg14 : memref<!tpu.dma_semaphore, #tpu.memory_space<semaphore_mem>>) src(%dma_wait3A_96 : memref<65536x768xf32, #tpu.memory_space<hbm>>) dst(%arg9 : memref<32x768xf32, #tpu.memory_space<vmem>>)
    %add3A_97 = arith.constant 96 : i32
    %add3A_98 = arith.addi %mul3A_2, %add3A_97 : i32
    %dma_start3A_99 = arith.constant 0 : i32
    %dma_start3A_100 = tpu.memref_slice %arg4[%add3A_98, %dma_start3A_99] : memref<16384x768xf32, #tpu.memory_space<hbm>> -> memref<32x768xf32, #tpu.memory_space<hbm>>
    %dma_start3A_101 = arith.constant 0 : i32
    %dma_start3A_102 = tpu.memref_slice %arg4[%add3A_98, %dma_start3A_101] : memref<16384x768xf32, #tpu.memory_space<hbm>> -> memref<32x768xf32, #tpu.memory_space<hbm>>
    tpu.enqueue_dma source(%arg9 : memref<32x768xf32, #tpu.memory_space<vmem>>) target(%dma_start3A_102 : memref<32x768xf32, #tpu.memory_space<hbm>>) target_semaphore(%arg19 : memref<!tpu.dma_semaphore, #tpu.memory_space<semaphore_mem>>)
    %dma_wait3A_103 = arith.constant 0 : i32
    %dma_wait3A_104 = tpu.memref_slice %arg4[%add3A_54, %dma_wait3A_103] : memref<16384x768xf32, #tpu.memory_space<hbm>> -> memref<32x768xf32, #tpu.memory_space<hbm>>
    %dma_wait3A_105 = arith.constant 0 : i32
    %dma_wait3A_106 = tpu.memref_slice %arg4[%add3A_54, %dma_wait3A_105] : memref<16384x768xf32, #tpu.memory_space<hbm>> -> memref<32x768xf32, #tpu.memory_space<hbm>>
    tpu.wait_dma2 semaphore(%arg17 : memref<!tpu.dma_semaphore, #tpu.memory_space<semaphore_mem>>) src(%arg7 : memref<32x768xf32, #tpu.memory_space<vmem>>) dst(%dma_wait3A_106 : memref<32x768xf32, #tpu.memory_space<hbm>>)
    %dma_start3A_107 = arith.constant 0 : i32
    %dma_start3A_108 = arith.constant 192 : i32
    %dma_start3A_109 = tpu.memref_slice %arg5[%dma_start3A_107, %dma_start3A_108] : memref<2x256xi32, #tpu.memory_space<vmem>> -> memref<1x32xi32, #tpu.memory_space<vmem>>
    %dma_start3A_110 = tpu.memref_squeeze %dma_start3A_109 : memref<1x32xi32, #tpu.memory_space<vmem>> -> memref<32xi32, #tpu.memory_space<vmem>>
    %dma_start3A_111 = arith.constant 0 : i32
    %dma_start3A_112 = arith.constant 0 : i32
    %dma_start3A_113 = tpu.memref_slice %arg2[%dma_start3A_111, %dma_start3A_112] : memref<65536x768xf32, #tpu.memory_space<hbm>> -> memref<65536x768xf32, #tpu.memory_space<hbm>>
    tpu.enqueue_indirect_dma source(%dma_start3A_113 : memref<65536x768xf32, #tpu.memory_space<hbm>>) target(%arg7 : memref<32x768xf32, #tpu.memory_space<vmem>>) offsets(%dma_start3A_110 : memref<32xi32, #tpu.memory_space<vmem>>) semaphore(%arg12 : memref<!tpu.dma_semaphore, #tpu.memory_space<semaphore_mem>>)
    %dma_wait3A_114 = arith.constant 0 : i32
    %dma_wait3A_115 = arith.constant 128 : i32
    %dma_wait3A_116 = tpu.memref_slice %arg5[%dma_wait3A_114, %dma_wait3A_115] : memref<2x256xi32, #tpu.memory_space<vmem>> -> memref<1x32xi32, #tpu.memory_space<vmem>>
    %dma_wait3A_117 = tpu.memref_squeeze %dma_wait3A_116 : memref<1x32xi32, #tpu.memory_space<vmem>> -> memref<32xi32, #tpu.memory_space<vmem>>
    %dma_wait3A_118 = arith.constant 0 : i32
    %dma_wait3A_119 = arith.constant 0 : i32
    %dma_wait3A_120 = tpu.memref_slice %arg2[%dma_wait3A_118, %dma_wait3A_119] : memref<65536x768xf32, #tpu.memory_space<hbm>> -> memref<65536x768xf32, #tpu.memory_space<hbm>>
    tpu.wait_indirect_dma semaphore(%arg15 : memref<!tpu.dma_semaphore, #tpu.memory_space<semaphore_mem>>) src(%dma_wait3A_120 : memref<65536x768xf32, #tpu.memory_space<hbm>>) dst(%arg10 : memref<32x768xf32, #tpu.memory_space<vmem>>)
    %add3A_121 = arith.constant 128 : i32
    %add3A_122 = arith.addi %mul3A_2, %add3A_121 : i32
    %dma_start3A_123 = arith.constant 0 : i32
    %dma_start3A_124 = tpu.memref_slice %arg4[%add3A_122, %dma_start3A_123] : memref<16384x768xf32, #tpu.memory_space<hbm>> -> memref<32x768xf32, #tpu.memory_space<hbm>>
    %dma_start3A_125 = arith.constant 0 : i32
    %dma_start3A_126 = tpu.memref_slice %arg4[%add3A_122, %dma_start3A_125] : memref<16384x768xf32, #tpu.memory_space<hbm>> -> memref<32x768xf32, #tpu.memory_space<hbm>>
    tpu.enqueue_dma source(%arg10 : memref<32x768xf32, #tpu.memory_space<vmem>>) target(%dma_start3A_126 : memref<32x768xf32, #tpu.memory_space<hbm>>) target_semaphore(%arg20 : memref<!tpu.dma_semaphore, #tpu.memory_space<semaphore_mem>>)
    %dma_wait3A_127 = arith.constant 0 : i32
    %dma_wait3A_128 = tpu.memref_slice %arg4[%add3A_74, %dma_wait3A_127] : memref<16384x768xf32, #tpu.memory_space<hbm>> -> memref<32x768xf32, #tpu.memory_space<hbm>>
    %dma_wait3A_129 = arith.constant 0 : i32
    %dma_wait3A_130 = tpu.memref_slice %arg4[%add3A_74, %dma_wait3A_129] : memref<16384x768xf32, #tpu.memory_space<hbm>> -> memref<32x768xf32, #tpu.memory_space<hbm>>
    tpu.wait_dma2 semaphore(%arg18 : memref<!tpu.dma_semaphore, #tpu.memory_space<semaphore_mem>>) src(%arg8 : memref<32x768xf32, #tpu.memory_space<vmem>>) dst(%dma_wait3A_130 : memref<32x768xf32, #tpu.memory_space<hbm>>)
    %dma_start3A_131 = arith.constant 0 : i32
    %dma_start3A_132 = arith.constant 224 : i32
    %dma_start3A_133 = tpu.memref_slice %arg5[%dma_start3A_131, %dma_start3A_132] : memref<2x256xi32, #tpu.memory_space<vmem>> -> memref<1x32xi32, #tpu.memory_space<vmem>>
    %dma_start3A_134 = tpu.memref_squeeze %dma_start3A_133 : memref<1x32xi32, #tpu.memory_space<vmem>> -> memref<32xi32, #tpu.memory_space<vmem>>
    %dma_start3A_135 = arith.constant 0 : i32
    %dma_start3A_136 = arith.constant 0 : i32
    %dma_start3A_137 = tpu.memref_slice %arg2[%dma_start3A_135, %dma_start3A_136] : memref<65536x768xf32, #tpu.memory_space<hbm>> -> memref<65536x768xf32, #tpu.memory_space<hbm>>
    tpu.enqueue_indirect_dma source(%dma_start3A_137 : memref<65536x768xf32, #tpu.memory_space<hbm>>) target(%arg8 : memref<32x768xf32, #tpu.memory_space<vmem>>) offsets(%dma_start3A_134 : memref<32xi32, #tpu.memory_space<vmem>>) semaphore(%arg13 : memref<!tpu.dma_semaphore, #tpu.memory_space<semaphore_mem>>)
    %dma_wait3A_138 = arith.constant 0 : i32
    %dma_wait3A_139 = arith.constant 160 : i32
    %dma_wait3A_140 = tpu.memref_slice %arg5[%dma_wait3A_138, %dma_wait3A_139] : memref<2x256xi32, #tpu.memory_space<vmem>> -> memref<1x32xi32, #tpu.memory_space<vmem>>
    %dma_wait3A_141 = tpu.memref_squeeze %dma_wait3A_140 : memref<1x32xi32, #tpu.memory_space<vmem>> -> memref<32xi32, #tpu.memory_space<vmem>>
    %dma_wait3A_142 = arith.constant 0 : i32
    %dma_wait3A_143 = arith.constant 0 : i32
    %dma_wait3A_144 = tpu.memref_slice %arg2[%dma_wait3A_142, %dma_wait3A_143] : memref<65536x768xf32, #tpu.memory_space<hbm>> -> memref<65536x768xf32, #tpu.memory_space<hbm>>
    tpu.wait_indirect_dma semaphore(%arg11 : memref<!tpu.dma_semaphore, #tpu.memory_space<semaphore_mem>>) src(%dma_wait3A_144 : memref<65536x768xf32, #tpu.memory_space<hbm>>) dst(%arg6 : memref<32x768xf32, #tpu.memory_space<vmem>>)
    %add3A_145 = arith.constant 160 : i32
    %add3A_146 = arith.addi %mul3A_2, %add3A_145 : i32
    %dma_start3A_147 = arith.constant 0 : i32
    %dma_start3A_148 = tpu.memref_slice %arg4[%add3A_146, %dma_start3A_147] : memref<16384x768xf32, #tpu.memory_space<hbm>> -> memref<32x768xf32, #tpu.memory_space<hbm>>
    %dma_start3A_149 = arith.constant 0 : i32
    %dma_start3A_150 = tpu.memref_slice %arg4[%add3A_146, %dma_start3A_149] : memref<16384x768xf32, #tpu.memory_space<hbm>> -> memref<32x768xf32, #tpu.memory_space<hbm>>
    tpu.enqueue_dma source(%arg6 : memref<32x768xf32, #tpu.memory_space<vmem>>) target(%dma_start3A_150 : memref<32x768xf32, #tpu.memory_space<hbm>>) target_semaphore(%arg16 : memref<!tpu.dma_semaphore, #tpu.memory_space<semaphore_mem>>)
    %dma_wait3A_151 = arith.constant 0 : i32
    %dma_wait3A_152 = tpu.memref_slice %arg4[%add3A_98, %dma_wait3A_151] : memref<16384x768xf32, #tpu.memory_space<hbm>> -> memref<32x768xf32, #tpu.memory_space<hbm>>
    %dma_wait3A_153 = arith.constant 0 : i32
    %dma_wait3A_154 = tpu.memref_slice %arg4[%add3A_98, %dma_wait3A_153] : memref<16384x768xf32, #tpu.memory_space<hbm>> -> memref<32x768xf32, #tpu.memory_space<hbm>>
    tpu.wait_dma2 semaphore(%arg19 : memref<!tpu.dma_semaphore, #tpu.memory_space<semaphore_mem>>) src(%arg9 : memref<32x768xf32, #tpu.memory_space<vmem>>) dst(%dma_wait3A_154 : memref<32x768xf32, #tpu.memory_space<hbm>>)
    %dma_start3A_155 = arith.constant 1 : i32
    %dma_start3A_156 = arith.constant 0 : i32
    %dma_start3A_157 = tpu.memref_slice %arg5[%dma_start3A_155, %dma_start3A_156] : memref<2x256xi32, #tpu.memory_space<vmem>> -> memref<1x32xi32, #tpu.memory_space<vmem>>
    %dma_start3A_158 = tpu.memref_squeeze %dma_start3A_157 : memref<1x32xi32, #tpu.memory_space<vmem>> -> memref<32xi32, #tpu.memory_space<vmem>>
    %dma_start3A_159 = arith.constant 0 : i32
    %dma_start3A_160 = arith.constant 0 : i32
    %dma_start3A_161 = tpu.memref_slice %arg2[%dma_start3A_159, %dma_start3A_160] : memref<65536x768xf32, #tpu.memory_space<hbm>> -> memref<65536x768xf32, #tpu.memory_space<hbm>>
    tpu.enqueue_indirect_dma source(%dma_start3A_161 : memref<65536x768xf32, #tpu.memory_space<hbm>>) target(%arg9 : memref<32x768xf32, #tpu.memory_space<vmem>>) offsets(%dma_start3A_158 : memref<32xi32, #tpu.memory_space<vmem>>) semaphore(%arg14 : memref<!tpu.dma_semaphore, #tpu.memory_space<semaphore_mem>>)
    %dma_wait3A_162 = arith.constant 0 : i32
    %dma_wait3A_163 = arith.constant 192 : i32
    %dma_wait3A_164 = tpu.memref_slice %arg5[%dma_wait3A_162, %dma_wait3A_163] : memref<2x256xi32, #tpu.memory_space<vmem>> -> memref<1x32xi32, #tpu.memory_space<vmem>>
    %dma_wait3A_165 = tpu.memref_squeeze %dma_wait3A_164 : memref<1x32xi32, #tpu.memory_space<vmem>> -> memref<32xi32, #tpu.memory_space<vmem>>
    %dma_wait3A_166 = arith.constant 0 : i32
    %dma_wait3A_167 = arith.constant 0 : i32
    %dma_wait3A_168 = tpu.memref_slice %arg2[%dma_wait3A_166, %dma_wait3A_167] : memref<65536x768xf32, #tpu.memory_space<hbm>> -> memref<65536x768xf32, #tpu.memory_space<hbm>>
    tpu.wait_indirect_dma semaphore(%arg12 : memref<!tpu.dma_semaphore, #tpu.memory_space<semaphore_mem>>) src(%dma_wait3A_168 : memref<65536x768xf32, #tpu.memory_space<hbm>>) dst(%arg7 : memref<32x768xf32, #tpu.memory_space<vmem>>)
    %add3A_169 = arith.constant 192 : i32
    %add3A_170 = arith.addi %mul3A_2, %add3A_169 : i32
    %dma_start3A_171 = arith.constant 0 : i32
    %dma_start3A_172 = tpu.memref_slice %arg4[%add3A_170, %dma_start3A_171] : memref<16384x768xf32, #tpu.memory_space<hbm>> -> memref<32x768xf32, #tpu.memory_space<hbm>>
    %dma_start3A_173 = arith.constant 0 : i32
    %dma_start3A_174 = tpu.memref_slice %arg4[%add3A_170, %dma_start3A_173] : memref<16384x768xf32, #tpu.memory_space<hbm>> -> memref<32x768xf32, #tpu.memory_space<hbm>>
    tpu.enqueue_dma source(%arg7 : memref<32x768xf32, #tpu.memory_space<vmem>>) target(%dma_start3A_174 : memref<32x768xf32, #tpu.memory_space<hbm>>) target_semaphore(%arg17 : memref<!tpu.dma_semaphore, #tpu.memory_space<semaphore_mem>>)
    %dma_wait3A_175 = arith.constant 0 : i32
    %dma_wait3A_176 = tpu.memref_slice %arg4[%add3A_122, %dma_wait3A_175] : memref<16384x768xf32, #tpu.memory_space<hbm>> -> memref<32x768xf32, #tpu.memory_space<hbm>>
    %dma_wait3A_177 = arith.constant 0 : i32
    %dma_wait3A_178 = tpu.memref_slice %arg4[%add3A_122, %dma_wait3A_177] : memref<16384x768xf32, #tpu.memory_space<hbm>> -> memref<32x768xf32, #tpu.memory_space<hbm>>
    tpu.wait_dma2 semaphore(%arg20 : memref<!tpu.dma_semaphore, #tpu.memory_space<semaphore_mem>>) src(%arg10 : memref<32x768xf32, #tpu.memory_space<vmem>>) dst(%dma_wait3A_178 : memref<32x768xf32, #tpu.memory_space<hbm>>)
    %dma_start3A_179 = arith.constant 1 : i32
    %dma_start3A_180 = arith.constant 32 : i32
    %dma_start3A_181 = tpu.memref_slice %arg5[%dma_start3A_179, %dma_start3A_180] : memref<2x256xi32, #tpu.memory_space<vmem>> -> memref<1x32xi32, #tpu.memory_space<vmem>>
    %dma_start3A_182 = tpu.memref_squeeze %dma_start3A_181 : memref<1x32xi32, #tpu.memory_space<vmem>> -> memref<32xi32, #tpu.memory_space<vmem>>
    %dma_start3A_183 = arith.constant 0 : i32
    %dma_start3A_184 = arith.constant 0 : i32
    %dma_start3A_185 = tpu.memref_slice %arg2[%dma_start3A_183, %dma_start3A_184] : memref<65536x768xf32, #tpu.memory_space<hbm>> -> memref<65536x768xf32, #tpu.memory_space<hbm>>
    tpu.enqueue_indirect_dma source(%dma_start3A_185 : memref<65536x768xf32, #tpu.memory_space<hbm>>) target(%arg10 : memref<32x768xf32, #tpu.memory_space<vmem>>) offsets(%dma_start3A_182 : memref<32xi32, #tpu.memory_space<vmem>>) semaphore(%arg15 : memref<!tpu.dma_semaphore, #tpu.memory_space<semaphore_mem>>)
    %dma_wait3A_186 = arith.constant 0 : i32
    %dma_wait3A_187 = arith.constant 224 : i32
    %dma_wait3A_188 = tpu.memref_slice %arg5[%dma_wait3A_186, %dma_wait3A_187] : memref<2x256xi32, #tpu.memory_space<vmem>> -> memref<1x32xi32, #tpu.memory_space<vmem>>
    %dma_wait3A_189 = tpu.memref_squeeze %dma_wait3A_188 : memref<1x32xi32, #tpu.memory_space<vmem>> -> memref<32xi32, #tpu.memory_space<vmem>>
    %dma_wait3A_190 = arith.constant 0 : i32
    %dma_wait3A_191 = arith.constant 0 : i32
    %dma_wait3A_192 = tpu.memref_slice %arg2[%dma_wait3A_190, %dma_wait3A_191] : memref<65536x768xf32, #tpu.memory_space<hbm>> -> memref<65536x768xf32, #tpu.memory_space<hbm>>
    tpu.wait_indirect_dma semaphore(%arg13 : memref<!tpu.dma_semaphore, #tpu.memory_space<semaphore_mem>>) src(%dma_wait3A_192 : memref<65536x768xf32, #tpu.memory_space<hbm>>) dst(%arg8 : memref<32x768xf32, #tpu.memory_space<vmem>>)
    %add3A_193 = arith.constant 224 : i32
    %add3A_194 = arith.addi %mul3A_2, %add3A_193 : i32
    %dma_start3A_195 = arith.constant 0 : i32
    %dma_start3A_196 = tpu.memref_slice %arg4[%add3A_194, %dma_start3A_195] : memref<16384x768xf32, #tpu.memory_space<hbm>> -> memref<32x768xf32, #tpu.memory_space<hbm>>
    %dma_start3A_197 = arith.constant 0 : i32
    %dma_start3A_198 = tpu.memref_slice %arg4[%add3A_194, %dma_start3A_197] : memref<16384x768xf32, #tpu.memory_space<hbm>> -> memref<32x768xf32, #tpu.memory_space<hbm>>
    tpu.enqueue_dma source(%arg8 : memref<32x768xf32, #tpu.memory_space<vmem>>) target(%dma_start3A_198 : memref<32x768xf32, #tpu.memory_space<hbm>>) target_semaphore(%arg18 : memref<!tpu.dma_semaphore, #tpu.memory_space<semaphore_mem>>)
    %dma_wait3A_199 = arith.constant 0 : i32
    %dma_wait3A_200 = tpu.memref_slice %arg4[%add3A_146, %dma_wait3A_199] : memref<16384x768xf32, #tpu.memory_space<hbm>> -> memref<32x768xf32, #tpu.memory_space<hbm>>
    %dma_wait3A_201 = arith.constant 0 : i32
    %dma_wait3A_202 = tpu.memref_slice %arg4[%add3A_146, %dma_wait3A_201] : memref<16384x768xf32, #tpu.memory_space<hbm>> -> memref<32x768xf32, #tpu.memory_space<hbm>>
    tpu.wait_dma2 semaphore(%arg16 : memref<!tpu.dma_semaphore, #tpu.memory_space<semaphore_mem>>) src(%arg6 : memref<32x768xf32, #tpu.memory_space<vmem>>) dst(%dma_wait3A_202 : memref<32x768xf32, #tpu.memory_space<hbm>>)
    %dma_start3A_203 = arith.constant 1 : i32
    %dma_start3A_204 = arith.constant 64 : i32
    %dma_start3A_205 = tpu.memref_slice %arg5[%dma_start3A_203, %dma_start3A_204] : memref<2x256xi32, #tpu.memory_space<vmem>> -> memref<1x32xi32, #tpu.memory_space<vmem>>
    %dma_start3A_206 = tpu.memref_squeeze %dma_start3A_205 : memref<1x32xi32, #tpu.memory_space<vmem>> -> memref<32xi32, #tpu.memory_space<vmem>>
    %dma_start3A_207 = arith.constant 0 : i32
    %dma_start3A_208 = arith.constant 0 : i32
    %dma_start3A_209 = tpu.memref_slice %arg2[%dma_start3A_207, %dma_start3A_208] : memref<65536x768xf32, #tpu.memory_space<hbm>> -> memref<65536x768xf32, #tpu.memory_space<hbm>>
    tpu.enqueue_indirect_dma source(%dma_start3A_209 : memref<65536x768xf32, #tpu.memory_space<hbm>>) target(%arg6 : memref<32x768xf32, #tpu.memory_space<vmem>>) offsets(%dma_start3A_206 : memref<32xi32, #tpu.memory_space<vmem>>) semaphore(%arg11 : memref<!tpu.dma_semaphore, #tpu.memory_space<semaphore_mem>>)
    %dma_wait3A_210 = arith.constant 1 : i32
    %dma_wait3A_211 = arith.constant 0 : i32
    %dma_wait3A_212 = tpu.memref_slice %arg5[%dma_wait3A_210, %dma_wait3A_211] : memref<2x256xi32, #tpu.memory_space<vmem>> -> memref<1x32xi32, #tpu.memory_space<vmem>>
    %dma_wait3A_213 = tpu.memref_squeeze %dma_wait3A_212 : memref<1x32xi32, #tpu.memory_space<vmem>> -> memref<32xi32, #tpu.memory_space<vmem>>
    %dma_wait3A_214 = arith.constant 0 : i32
    %dma_wait3A_215 = arith.constant 0 : i32
    %dma_wait3A_216 = tpu.memref_slice %arg2[%dma_wait3A_214, %dma_wait3A_215] : memref<65536x768xf32, #tpu.memory_space<hbm>> -> memref<65536x768xf32, #tpu.memory_space<hbm>>
    tpu.wait_indirect_dma semaphore(%arg14 : memref<!tpu.dma_semaphore, #tpu.memory_space<semaphore_mem>>) src(%dma_wait3A_216 : memref<65536x768xf32, #tpu.memory_space<hbm>>) dst(%arg9 : memref<32x768xf32, #tpu.memory_space<vmem>>)
    %add3A_217 = arith.constant 256 : i32
    %add3A_218 = arith.addi %mul3A_2, %add3A_217 : i32
    %dma_start3A_219 = arith.constant 0 : i32
    %dma_start3A_220 = tpu.memref_slice %arg4[%add3A_218, %dma_start3A_219] : memref<16384x768xf32, #tpu.memory_space<hbm>> -> memref<32x768xf32, #tpu.memory_space<hbm>>
    %dma_start3A_221 = arith.constant 0 : i32
    %dma_start3A_222 = tpu.memref_slice %arg4[%add3A_218, %dma_start3A_221] : memref<16384x768xf32, #tpu.memory_space<hbm>> -> memref<32x768xf32, #tpu.memory_space<hbm>>
    tpu.enqueue_dma source(%arg9 : memref<32x768xf32, #tpu.memory_space<vmem>>) target(%dma_start3A_222 : memref<32x768xf32, #tpu.memory_space<hbm>>) target_semaphore(%arg19 : memref<!tpu.dma_semaphore, #tpu.memory_space<semaphore_mem>>)
    %dma_wait3A_223 = arith.constant 0 : i32
    %dma_wait3A_224 = tpu.memref_slice %arg4[%add3A_170, %dma_wait3A_223] : memref<16384x768xf32, #tpu.memory_space<hbm>> -> memref<32x768xf32, #tpu.memory_space<hbm>>
    %dma_wait3A_225 = arith.constant 0 : i32
    %dma_wait3A_226 = tpu.memref_slice %arg4[%add3A_170, %dma_wait3A_225] : memref<16384x768xf32, #tpu.memory_space<hbm>> -> memref<32x768xf32, #tpu.memory_space<hbm>>
    tpu.wait_dma2 semaphore(%arg17 : memref<!tpu.dma_semaphore, #tpu.memory_space<semaphore_mem>>) src(%arg7 : memref<32x768xf32, #tpu.memory_space<vmem>>) dst(%dma_wait3A_226 : memref<32x768xf32, #tpu.memory_space<hbm>>)
    %dma_start3A_227 = arith.constant 1 : i32
    %dma_start3A_228 = arith.constant 96 : i32
    %dma_start3A_229 = tpu.memref_slice %arg5[%dma_start3A_227, %dma_start3A_228] : memref<2x256xi32, #tpu.memory_space<vmem>> -> memref<1x32xi32, #tpu.memory_space<vmem>>
    %dma_start3A_230 = tpu.memref_squeeze %dma_start3A_229 : memref<1x32xi32, #tpu.memory_space<vmem>> -> memref<32xi32, #tpu.memory_space<vmem>>
    %dma_start3A_231 = arith.constant 0 : i32
    %dma_start3A_232 = arith.constant 0 : i32
    %dma_start3A_233 = tpu.memref_slice %arg2[%dma_start3A_231, %dma_start3A_232] : memref<65536x768xf32, #tpu.memory_space<hbm>> -> memref<65536x768xf32, #tpu.memory_space<hbm>>
    tpu.enqueue_indirect_dma source(%dma_start3A_233 : memref<65536x768xf32, #tpu.memory_space<hbm>>) target(%arg7 : memref<32x768xf32, #tpu.memory_space<vmem>>) offsets(%dma_start3A_230 : memref<32xi32, #tpu.memory_space<vmem>>) semaphore(%arg12 : memref<!tpu.dma_semaphore, #tpu.memory_space<semaphore_mem>>)
    %dma_wait3A_234 = arith.constant 1 : i32
    %dma_wait3A_235 = arith.constant 32 : i32
    %dma_wait3A_236 = tpu.memref_slice %arg5[%dma_wait3A_234, %dma_wait3A_235] : memref<2x256xi32, #tpu.memory_space<vmem>> -> memref<1x32xi32, #tpu.memory_space<vmem>>
    %dma_wait3A_237 = tpu.memref_squeeze %dma_wait3A_236 : memref<1x32xi32, #tpu.memory_space<vmem>> -> memref<32xi32, #tpu.memory_space<vmem>>
    %dma_wait3A_238 = arith.constant 0 : i32
    %dma_wait3A_239 = arith.constant 0 : i32
    %dma_wait3A_240 = tpu.memref_slice %arg2[%dma_wait3A_238, %dma_wait3A_239] : memref<65536x768xf32, #tpu.memory_space<hbm>> -> memref<65536x768xf32, #tpu.memory_space<hbm>>
    tpu.wait_indirect_dma semaphore(%arg15 : memref<!tpu.dma_semaphore, #tpu.memory_space<semaphore_mem>>) src(%dma_wait3A_240 : memref<65536x768xf32, #tpu.memory_space<hbm>>) dst(%arg10 : memref<32x768xf32, #tpu.memory_space<vmem>>)
    %add3A_241 = arith.constant 288 : i32
    %add3A_242 = arith.addi %mul3A_2, %add3A_241 : i32
    %dma_start3A_243 = arith.constant 0 : i32
    %dma_start3A_244 = tpu.memref_slice %arg4[%add3A_242, %dma_start3A_243] : memref<16384x768xf32, #tpu.memory_space<hbm>> -> memref<32x768xf32, #tpu.memory_space<hbm>>
    %dma_start3A_245 = arith.constant 0 : i32
    %dma_start3A_246 = tpu.memref_slice %arg4[%add3A_242, %dma_start3A_245] : memref<16384x768xf32, #tpu.memory_space<hbm>> -> memref<32x768xf32, #tpu.memory_space<hbm>>
    tpu.enqueue_dma source(%arg10 : memref<32x768xf32, #tpu.memory_space<vmem>>) target(%dma_start3A_246 : memref<32x768xf32, #tpu.memory_space<hbm>>) target_semaphore(%arg20 : memref<!tpu.dma_semaphore, #tpu.memory_space<semaphore_mem>>)
    %dma_wait3A_247 = arith.constant 0 : i32
    %dma_wait3A_248 = tpu.memref_slice %arg4[%add3A_194, %dma_wait3A_247] : memref<16384x768xf32, #tpu.memory_space<hbm>> -> memref<32x768xf32, #tpu.memory_space<hbm>>
    %dma_wait3A_249 = arith.constant 0 : i32
    %dma_wait3A_250 = tpu.memref_slice %arg4[%add3A_194, %dma_wait3A_249] : memref<16384x768xf32, #tpu.memory_space<hbm>> -> memref<32x768xf32, #tpu.memory_space<hbm>>
    tpu.wait_dma2 semaphore(%arg18 : memref<!tpu.dma_semaphore, #tpu.memory_space<semaphore_mem>>) src(%arg8 : memref<32x768xf32, #tpu.memory_space<vmem>>) dst(%dma_wait3A_250 : memref<32x768xf32, #tpu.memory_space<hbm>>)
    %dma_start3A_251 = arith.constant 1 : i32
    %dma_start3A_252 = arith.constant 128 : i32
    %dma_start3A_253 = tpu.memref_slice %arg5[%dma_start3A_251, %dma_start3A_252] : memref<2x256xi32, #tpu.memory_space<vmem>> -> memref<1x32xi32, #tpu.memory_space<vmem>>
    %dma_start3A_254 = tpu.memref_squeeze %dma_start3A_253 : memref<1x32xi32, #tpu.memory_space<vmem>> -> memref<32xi32, #tpu.memory_space<vmem>>
    %dma_start3A_255 = arith.constant 0 : i32
    %dma_start3A_256 = arith.constant 0 : i32
    %dma_start3A_257 = tpu.memref_slice %arg2[%dma_start3A_255, %dma_start3A_256] : memref<65536x768xf32, #tpu.memory_space<hbm>> -> memref<65536x768xf32, #tpu.memory_space<hbm>>
    tpu.enqueue_indirect_dma source(%dma_start3A_257 : memref<65536x768xf32, #tpu.memory_space<hbm>>) target(%arg8 : memref<32x768xf32, #tpu.memory_space<vmem>>) offsets(%dma_start3A_254 : memref<32xi32, #tpu.memory_space<vmem>>) semaphore(%arg13 : memref<!tpu.dma_semaphore, #tpu.memory_space<semaphore_mem>>)
    %dma_wait3A_258 = arith.constant 1 : i32
    %dma_wait3A_259 = arith.constant 64 : i32
    %dma_wait3A_260 = tpu.memref_slice %arg5[%dma_wait3A_258, %dma_wait3A_259] : memref<2x256xi32, #tpu.memory_space<vmem>> -> memref<1x32xi32, #tpu.memory_space<vmem>>
    %dma_wait3A_261 = tpu.memref_squeeze %dma_wait3A_260 : memref<1x32xi32, #tpu.memory_space<vmem>> -> memref<32xi32, #tpu.memory_space<vmem>>
    %dma_wait3A_262 = arith.constant 0 : i32
    %dma_wait3A_263 = arith.constant 0 : i32
    %dma_wait3A_264 = tpu.memref_slice %arg2[%dma_wait3A_262, %dma_wait3A_263] : memref<65536x768xf32, #tpu.memory_space<hbm>> -> memref<65536x768xf32, #tpu.memory_space<hbm>>
    tpu.wait_indirect_dma semaphore(%arg11 : memref<!tpu.dma_semaphore, #tpu.memory_space<semaphore_mem>>) src(%dma_wait3A_264 : memref<65536x768xf32, #tpu.memory_space<hbm>>) dst(%arg6 : memref<32x768xf32, #tpu.memory_space<vmem>>)
    %add3A_265 = arith.constant 320 : i32
    %add3A_266 = arith.addi %mul3A_2, %add3A_265 : i32
    %dma_start3A_267 = arith.constant 0 : i32
    %dma_start3A_268 = tpu.memref_slice %arg4[%add3A_266, %dma_start3A_267] : memref<16384x768xf32, #tpu.memory_space<hbm>> -> memref<32x768xf32, #tpu.memory_space<hbm>>
    %dma_start3A_269 = arith.constant 0 : i32
    %dma_start3A_270 = tpu.memref_slice %arg4[%add3A_266, %dma_start3A_269] : memref<16384x768xf32, #tpu.memory_space<hbm>> -> memref<32x768xf32, #tpu.memory_space<hbm>>
    tpu.enqueue_dma source(%arg6 : memref<32x768xf32, #tpu.memory_space<vmem>>) target(%dma_start3A_270 : memref<32x768xf32, #tpu.memory_space<hbm>>) target_semaphore(%arg16 : memref<!tpu.dma_semaphore, #tpu.memory_space<semaphore_mem>>)
    %dma_wait3A_271 = arith.constant 0 : i32
    %dma_wait3A_272 = tpu.memref_slice %arg4[%add3A_218, %dma_wait3A_271] : memref<16384x768xf32, #tpu.memory_space<hbm>> -> memref<32x768xf32, #tpu.memory_space<hbm>>
    %dma_wait3A_273 = arith.constant 0 : i32
    %dma_wait3A_274 = tpu.memref_slice %arg4[%add3A_218, %dma_wait3A_273] : memref<16384x768xf32, #tpu.memory_space<hbm>> -> memref<32x768xf32, #tpu.memory_space<hbm>>
    tpu.wait_dma2 semaphore(%arg19 : memref<!tpu.dma_semaphore, #tpu.memory_space<semaphore_mem>>) src(%arg9 : memref<32x768xf32, #tpu.memory_space<vmem>>) dst(%dma_wait3A_274 : memref<32x768xf32, #tpu.memory_space<hbm>>)
    %dma_start3A_275 = arith.constant 1 : i32
    %dma_start3A_276 = arith.constant 160 : i32
    %dma_start3A_277 = tpu.memref_slice %arg5[%dma_start3A_275, %dma_start3A_276] : memref<2x256xi32, #tpu.memory_space<vmem>> -> memref<1x32xi32, #tpu.memory_space<vmem>>
    %dma_start3A_278 = tpu.memref_squeeze %dma_start3A_277 : memref<1x32xi32, #tpu.memory_space<vmem>> -> memref<32xi32, #tpu.memory_space<vmem>>
    %dma_start3A_279 = arith.constant 0 : i32
    %dma_start3A_280 = arith.constant 0 : i32
    %dma_start3A_281 = tpu.memref_slice %arg2[%dma_start3A_279, %dma_start3A_280] : memref<65536x768xf32, #tpu.memory_space<hbm>> -> memref<65536x768xf32, #tpu.memory_space<hbm>>
    tpu.enqueue_indirect_dma source(%dma_start3A_281 : memref<65536x768xf32, #tpu.memory_space<hbm>>) target(%arg9 : memref<32x768xf32, #tpu.memory_space<vmem>>) offsets(%dma_start3A_278 : memref<32xi32, #tpu.memory_space<vmem>>) semaphore(%arg14 : memref<!tpu.dma_semaphore, #tpu.memory_space<semaphore_mem>>)
    %dma_wait3A_282 = arith.constant 1 : i32
    %dma_wait3A_283 = arith.constant 96 : i32
    %dma_wait3A_284 = tpu.memref_slice %arg5[%dma_wait3A_282, %dma_wait3A_283] : memref<2x256xi32, #tpu.memory_space<vmem>> -> memref<1x32xi32, #tpu.memory_space<vmem>>
    %dma_wait3A_285 = tpu.memref_squeeze %dma_wait3A_284 : memref<1x32xi32, #tpu.memory_space<vmem>> -> memref<32xi32, #tpu.memory_space<vmem>>
    %dma_wait3A_286 = arith.constant 0 : i32
    %dma_wait3A_287 = arith.constant 0 : i32
    %dma_wait3A_288 = tpu.memref_slice %arg2[%dma_wait3A_286, %dma_wait3A_287] : memref<65536x768xf32, #tpu.memory_space<hbm>> -> memref<65536x768xf32, #tpu.memory_space<hbm>>
    tpu.wait_indirect_dma semaphore(%arg12 : memref<!tpu.dma_semaphore, #tpu.memory_space<semaphore_mem>>) src(%dma_wait3A_288 : memref<65536x768xf32, #tpu.memory_space<hbm>>) dst(%arg7 : memref<32x768xf32, #tpu.memory_space<vmem>>)
    %add3A_289 = arith.constant 352 : i32
    %add3A_290 = arith.addi %mul3A_2, %add3A_289 : i32
    %dma_start3A_291 = arith.constant 0 : i32
    %dma_start3A_292 = tpu.memref_slice %arg4[%add3A_290, %dma_start3A_291] : memref<16384x768xf32, #tpu.memory_space<hbm>> -> memref<32x768xf32, #tpu.memory_space<hbm>>
    %dma_start3A_293 = arith.constant 0 : i32
    %dma_start3A_294 = tpu.memref_slice %arg4[%add3A_290, %dma_start3A_293] : memref<16384x768xf32, #tpu.memory_space<hbm>> -> memref<32x768xf32, #tpu.memory_space<hbm>>
    tpu.enqueue_dma source(%arg7 : memref<32x768xf32, #tpu.memory_space<vmem>>) target(%dma_start3A_294 : memref<32x768xf32, #tpu.memory_space<hbm>>) target_semaphore(%arg17 : memref<!tpu.dma_semaphore, #tpu.memory_space<semaphore_mem>>)
    %dma_wait3A_295 = arith.constant 0 : i32
    %dma_wait3A_296 = tpu.memref_slice %arg4[%add3A_242, %dma_wait3A_295] : memref<16384x768xf32, #tpu.memory_space<hbm>> -> memref<32x768xf32, #tpu.memory_space<hbm>>
    %dma_wait3A_297 = arith.constant 0 : i32
    %dma_wait3A_298 = tpu.memref_slice %arg4[%add3A_242, %dma_wait3A_297] : memref<16384x768xf32, #tpu.memory_space<hbm>> -> memref<32x768xf32, #tpu.memory_space<hbm>>
    tpu.wait_dma2 semaphore(%arg20 : memref<!tpu.dma_semaphore, #tpu.memory_space<semaphore_mem>>) src(%arg10 : memref<32x768xf32, #tpu.memory_space<vmem>>) dst(%dma_wait3A_298 : memref<32x768xf32, #tpu.memory_space<hbm>>)
    %dma_start3A_299 = arith.constant 1 : i32
    %dma_start3A_300 = arith.constant 192 : i32
    %dma_start3A_301 = tpu.memref_slice %arg5[%dma_start3A_299, %dma_start3A_300] : memref<2x256xi32, #tpu.memory_space<vmem>> -> memref<1x32xi32, #tpu.memory_space<vmem>>
    %dma_start3A_302 = tpu.memref_squeeze %dma_start3A_301 : memref<1x32xi32, #tpu.memory_space<vmem>> -> memref<32xi32, #tpu.memory_space<vmem>>
    %dma_start3A_303 = arith.constant 0 : i32
    %dma_start3A_304 = arith.constant 0 : i32
    %dma_start3A_305 = tpu.memref_slice %arg2[%dma_start3A_303, %dma_start3A_304] : memref<65536x768xf32, #tpu.memory_space<hbm>> -> memref<65536x768xf32, #tpu.memory_space<hbm>>
    tpu.enqueue_indirect_dma source(%dma_start3A_305 : memref<65536x768xf32, #tpu.memory_space<hbm>>) target(%arg10 : memref<32x768xf32, #tpu.memory_space<vmem>>) offsets(%dma_start3A_302 : memref<32xi32, #tpu.memory_space<vmem>>) semaphore(%arg15 : memref<!tpu.dma_semaphore, #tpu.memory_space<semaphore_mem>>)
    %dma_wait3A_306 = arith.constant 1 : i32
    %dma_wait3A_307 = arith.constant 128 : i32
    %dma_wait3A_308 = tpu.memref_slice %arg5[%dma_wait3A_306, %dma_wait3A_307] : memref<2x256xi32, #tpu.memory_space<vmem>> -> memref<1x32xi32, #tpu.memory_space<vmem>>
    %dma_wait3A_309 = tpu.memref_squeeze %dma_wait3A_308 : memref<1x32xi32, #tpu.memory_space<vmem>> -> memref<32xi32, #tpu.memory_space<vmem>>
    %dma_wait3A_310 = arith.constant 0 : i32
    %dma_wait3A_311 = arith.constant 0 : i32
    %dma_wait3A_312 = tpu.memref_slice %arg2[%dma_wait3A_310, %dma_wait3A_311] : memref<65536x768xf32, #tpu.memory_space<hbm>> -> memref<65536x768xf32, #tpu.memory_space<hbm>>
    tpu.wait_indirect_dma semaphore(%arg13 : memref<!tpu.dma_semaphore, #tpu.memory_space<semaphore_mem>>) src(%dma_wait3A_312 : memref<65536x768xf32, #tpu.memory_space<hbm>>) dst(%arg8 : memref<32x768xf32, #tpu.memory_space<vmem>>)
    %add3A_313 = arith.constant 384 : i32
    %add3A_314 = arith.addi %mul3A_2, %add3A_313 : i32
    %dma_start3A_315 = arith.constant 0 : i32
    %dma_start3A_316 = tpu.memref_slice %arg4[%add3A_314, %dma_start3A_315] : memref<16384x768xf32, #tpu.memory_space<hbm>> -> memref<32x768xf32, #tpu.memory_space<hbm>>
    %dma_start3A_317 = arith.constant 0 : i32
    %dma_start3A_318 = tpu.memref_slice %arg4[%add3A_314, %dma_start3A_317] : memref<16384x768xf32, #tpu.memory_space<hbm>> -> memref<32x768xf32, #tpu.memory_space<hbm>>
    tpu.enqueue_dma source(%arg8 : memref<32x768xf32, #tpu.memory_space<vmem>>) target(%dma_start3A_318 : memref<32x768xf32, #tpu.memory_space<hbm>>) target_semaphore(%arg18 : memref<!tpu.dma_semaphore, #tpu.memory_space<semaphore_mem>>)
    %dma_wait3A_319 = arith.constant 0 : i32
    %dma_wait3A_320 = tpu.memref_slice %arg4[%add3A_266, %dma_wait3A_319] : memref<16384x768xf32, #tpu.memory_space<hbm>> -> memref<32x768xf32, #tpu.memory_space<hbm>>
    %dma_wait3A_321 = arith.constant 0 : i32
    %dma_wait3A_322 = tpu.memref_slice %arg4[%add3A_266, %dma_wait3A_321] : memref<16384x768xf32, #tpu.memory_space<hbm>> -> memref<32x768xf32, #tpu.memory_space<hbm>>
    tpu.wait_dma2 semaphore(%arg16 : memref<!tpu.dma_semaphore, #tpu.memory_space<semaphore_mem>>) src(%arg6 : memref<32x768xf32, #tpu.memory_space<vmem>>) dst(%dma_wait3A_322 : memref<32x768xf32, #tpu.memory_space<hbm>>)
    %dma_start3A_323 = arith.constant 1 : i32
    %dma_start3A_324 = arith.constant 224 : i32
    %dma_start3A_325 = tpu.memref_slice %arg5[%dma_start3A_323, %dma_start3A_324] : memref<2x256xi32, #tpu.memory_space<vmem>> -> memref<1x32xi32, #tpu.memory_space<vmem>>
    %dma_start3A_326 = tpu.memref_squeeze %dma_start3A_325 : memref<1x32xi32, #tpu.memory_space<vmem>> -> memref<32xi32, #tpu.memory_space<vmem>>
    %dma_start3A_327 = arith.constant 0 : i32
    %dma_start3A_328 = arith.constant 0 : i32
    %dma_start3A_329 = tpu.memref_slice %arg2[%dma_start3A_327, %dma_start3A_328] : memref<65536x768xf32, #tpu.memory_space<hbm>> -> memref<65536x768xf32, #tpu.memory_space<hbm>>
    tpu.enqueue_indirect_dma source(%dma_start3A_329 : memref<65536x768xf32, #tpu.memory_space<hbm>>) target(%arg6 : memref<32x768xf32, #tpu.memory_space<vmem>>) offsets(%dma_start3A_326 : memref<32xi32, #tpu.memory_space<vmem>>) semaphore(%arg11 : memref<!tpu.dma_semaphore, #tpu.memory_space<semaphore_mem>>)
    %dma_wait3A_330 = arith.constant 1 : i32
    %dma_wait3A_331 = arith.constant 160 : i32
    %dma_wait3A_332 = tpu.memref_slice %arg5[%dma_wait3A_330, %dma_wait3A_331] : memref<2x256xi32, #tpu.memory_space<vmem>> -> memref<1x32xi32, #tpu.memory_space<vmem>>
    %dma_wait3A_333 = tpu.memref_squeeze %dma_wait3A_332 : memref<1x32xi32, #tpu.memory_space<vmem>> -> memref<32xi32, #tpu.memory_space<vmem>>
    %dma_wait3A_334 = arith.constant 0 : i32
    %dma_wait3A_335 = arith.constant 0 : i32
    %dma_wait3A_336 = tpu.memref_slice %arg2[%dma_wait3A_334, %dma_wait3A_335] : memref<65536x768xf32, #tpu.memory_space<hbm>> -> memref<65536x768xf32, #tpu.memory_space<hbm>>
    tpu.wait_indirect_dma semaphore(%arg14 : memref<!tpu.dma_semaphore, #tpu.memory_space<semaphore_mem>>) src(%dma_wait3A_336 : memref<65536x768xf32, #tpu.memory_space<hbm>>) dst(%arg9 : memref<32x768xf32, #tpu.memory_space<vmem>>)
    %add3A_337 = arith.constant 416 : i32
    %add3A_338 = arith.addi %mul3A_2, %add3A_337 : i32
    %dma_start3A_339 = arith.constant 0 : i32
    %dma_start3A_340 = tpu.memref_slice %arg4[%add3A_338, %dma_start3A_339] : memref<16384x768xf32, #tpu.memory_space<hbm>> -> memref<32x768xf32, #tpu.memory_space<hbm>>
    %dma_start3A_341 = arith.constant 0 : i32
    %dma_start3A_342 = tpu.memref_slice %arg4[%add3A_338, %dma_start3A_341] : memref<16384x768xf32, #tpu.memory_space<hbm>> -> memref<32x768xf32, #tpu.memory_space<hbm>>
    tpu.enqueue_dma source(%arg9 : memref<32x768xf32, #tpu.memory_space<vmem>>) target(%dma_start3A_342 : memref<32x768xf32, #tpu.memory_space<hbm>>) target_semaphore(%arg19 : memref<!tpu.dma_semaphore, #tpu.memory_space<semaphore_mem>>)
    %dma_wait3A_343 = arith.constant 1 : i32
    %dma_wait3A_344 = arith.constant 192 : i32
    %dma_wait3A_345 = tpu.memref_slice %arg5[%dma_wait3A_343, %dma_wait3A_344] : memref<2x256xi32, #tpu.memory_space<vmem>> -> memref<1x32xi32, #tpu.memory_space<vmem>>
    %dma_wait3A_346 = tpu.memref_squeeze %dma_wait3A_345 : memref<1x32xi32, #tpu.memory_space<vmem>> -> memref<32xi32, #tpu.memory_space<vmem>>
    %dma_wait3A_347 = arith.constant 0 : i32
    %dma_wait3A_348 = arith.constant 0 : i32
    %dma_wait3A_349 = tpu.memref_slice %arg2[%dma_wait3A_347, %dma_wait3A_348] : memref<65536x768xf32, #tpu.memory_space<hbm>> -> memref<65536x768xf32, #tpu.memory_space<hbm>>
    tpu.wait_indirect_dma semaphore(%arg15 : memref<!tpu.dma_semaphore, #tpu.memory_space<semaphore_mem>>) src(%dma_wait3A_349 : memref<65536x768xf32, #tpu.memory_space<hbm>>) dst(%arg10 : memref<32x768xf32, #tpu.memory_space<vmem>>)
    %add3A_350 = arith.constant 448 : i32
    %add3A_351 = arith.addi %mul3A_2, %add3A_350 : i32
    %dma_start3A_352 = arith.constant 0 : i32
    %dma_start3A_353 = tpu.memref_slice %arg4[%add3A_351, %dma_start3A_352] : memref<16384x768xf32, #tpu.memory_space<hbm>> -> memref<32x768xf32, #tpu.memory_space<hbm>>
    %dma_start3A_354 = arith.constant 0 : i32
    %dma_start3A_355 = tpu.memref_slice %arg4[%add3A_351, %dma_start3A_354] : memref<16384x768xf32, #tpu.memory_space<hbm>> -> memref<32x768xf32, #tpu.memory_space<hbm>>
    tpu.enqueue_dma source(%arg10 : memref<32x768xf32, #tpu.memory_space<vmem>>) target(%dma_start3A_355 : memref<32x768xf32, #tpu.memory_space<hbm>>) target_semaphore(%arg20 : memref<!tpu.dma_semaphore, #tpu.memory_space<semaphore_mem>>)
    %dma_wait3A_356 = arith.constant 1 : i32
    %dma_wait3A_357 = arith.constant 224 : i32
    %dma_wait3A_358 = tpu.memref_slice %arg5[%dma_wait3A_356, %dma_wait3A_357] : memref<2x256xi32, #tpu.memory_space<vmem>> -> memref<1x32xi32, #tpu.memory_space<vmem>>
    %dma_wait3A_359 = tpu.memref_squeeze %dma_wait3A_358 : memref<1x32xi32, #tpu.memory_space<vmem>> -> memref<32xi32, #tpu.memory_space<vmem>>
    %dma_wait3A_360 = arith.constant 0 : i32
    %dma_wait3A_361 = arith.constant 0 : i32
    %dma_wait3A_362 = tpu.memref_slice %arg2[%dma_wait3A_360, %dma_wait3A_361] : memref<65536x768xf32, #tpu.memory_space<hbm>> -> memref<65536x768xf32, #tpu.memory_space<hbm>>
    tpu.wait_indirect_dma semaphore(%arg11 : memref<!tpu.dma_semaphore, #tpu.memory_space<semaphore_mem>>) src(%dma_wait3A_362 : memref<65536x768xf32, #tpu.memory_space<hbm>>) dst(%arg6 : memref<32x768xf32, #tpu.memory_space<vmem>>)
    %add3A_363 = arith.constant 480 : i32
    %add3A_364 = arith.addi %mul3A_2, %add3A_363 : i32
    %dma_start3A_365 = arith.constant 0 : i32
    %dma_start3A_366 = tpu.memref_slice %arg4[%add3A_364, %dma_start3A_365] : memref<16384x768xf32, #tpu.memory_space<hbm>> -> memref<32x768xf32, #tpu.memory_space<hbm>>
    %dma_start3A_367 = arith.constant 0 : i32
    %dma_start3A_368 = tpu.memref_slice %arg4[%add3A_364, %dma_start3A_367] : memref<16384x768xf32, #tpu.memory_space<hbm>> -> memref<32x768xf32, #tpu.memory_space<hbm>>
    tpu.enqueue_dma source(%arg6 : memref<32x768xf32, #tpu.memory_space<vmem>>) target(%dma_start3A_368 : memref<32x768xf32, #tpu.memory_space<hbm>>) target_semaphore(%arg16 : memref<!tpu.dma_semaphore, #tpu.memory_space<semaphore_mem>>)
    %dma_wait3A_369 = arith.constant 0 : i32
    %dma_wait3A_370 = tpu.memref_slice %arg4[%add3A_290, %dma_wait3A_369] : memref<16384x768xf32, #tpu.memory_space<hbm>> -> memref<32x768xf32, #tpu.memory_space<hbm>>
    %dma_wait3A_371 = arith.constant 0 : i32
    %dma_wait3A_372 = tpu.memref_slice %arg4[%add3A_290, %dma_wait3A_371] : memref<16384x768xf32, #tpu.memory_space<hbm>> -> memref<32x768xf32, #tpu.memory_space<hbm>>
    tpu.wait_dma2 semaphore(%arg17 : memref<!tpu.dma_semaphore, #tpu.memory_space<semaphore_mem>>) src(%arg7 : memref<32x768xf32, #tpu.memory_space<vmem>>) dst(%dma_wait3A_372 : memref<32x768xf32, #tpu.memory_space<hbm>>)
    %dma_wait3A_373 = arith.constant 0 : i32
    %dma_wait3A_374 = tpu.memref_slice %arg4[%add3A_314, %dma_wait3A_373] : memref<16384x768xf32, #tpu.memory_space<hbm>> -> memref<32x768xf32, #tpu.memory_space<hbm>>
    %dma_wait3A_375 = arith.constant 0 : i32
    %dma_wait3A_376 = tpu.memref_slice %arg4[%add3A_314, %dma_wait3A_375] : memref<16384x768xf32, #tpu.memory_space<hbm>> -> memref<32x768xf32, #tpu.memory_space<hbm>>
    tpu.wait_dma2 semaphore(%arg18 : memref<!tpu.dma_semaphore, #tpu.memory_space<semaphore_mem>>) src(%arg8 : memref<32x768xf32, #tpu.memory_space<vmem>>) dst(%dma_wait3A_376 : memref<32x768xf32, #tpu.memory_space<hbm>>)
    %dma_wait3A_377 = arith.constant 0 : i32
    %dma_wait3A_378 = tpu.memref_slice %arg4[%add3A_338, %dma_wait3A_377] : memref<16384x768xf32, #tpu.memory_space<hbm>> -> memref<32x768xf32, #tpu.memory_space<hbm>>
    %dma_wait3A_379 = arith.constant 0 : i32
    %dma_wait3A_380 = tpu.memref_slice %arg4[%add3A_338, %dma_wait3A_379] : memref<16384x768xf32, #tpu.memory_space<hbm>> -> memref<32x768xf32, #tpu.memory_space<hbm>>
    tpu.wait_dma2 semaphore(%arg19 : memref<!tpu.dma_semaphore, #tpu.memory_space<semaphore_mem>>) src(%arg9 : memref<32x768xf32, #tpu.memory_space<vmem>>) dst(%dma_wait3A_380 : memref<32x768xf32, #tpu.memory_space<hbm>>)
    %dma_wait3A_381 = arith.constant 0 : i32
    %dma_wait3A_382 = tpu.memref_slice %arg4[%add3A_351, %dma_wait3A_381] : memref<16384x768xf32, #tpu.memory_space<hbm>> -> memref<32x768xf32, #tpu.memory_space<hbm>>
    %dma_wait3A_383 = arith.constant 0 : i32
    %dma_wait3A_384 = tpu.memref_slice %arg4[%add3A_351, %dma_wait3A_383] : memref<16384x768xf32, #tpu.memory_space<hbm>> -> memref<32x768xf32, #tpu.memory_space<hbm>>
    tpu.wait_dma2 semaphore(%arg20 : memref<!tpu.dma_semaphore, #tpu.memory_space<semaphore_mem>>) src(%arg10 : memref<32x768xf32, #tpu.memory_space<vmem>>) dst(%dma_wait3A_384 : memref<32x768xf32, #tpu.memory_space<hbm>>)
    %dma_wait3A_385 = arith.constant 0 : i32
    %dma_wait3A_386 = tpu.memref_slice %arg4[%add3A_364, %dma_wait3A_385] : memref<16384x768xf32, #tpu.memory_space<hbm>> -> memref<32x768xf32, #tpu.memory_space<hbm>>
    %dma_wait3A_387 = arith.constant 0 : i32
    %dma_wait3A_388 = tpu.memref_slice %arg4[%add3A_364, %dma_wait3A_387] : memref<16384x768xf32, #tpu.memory_space<hbm>> -> memref<32x768xf32, #tpu.memory_space<hbm>>
    tpu.wait_dma2 semaphore(%arg16 : memref<!tpu.dma_semaphore, #tpu.memory_space<semaphore_mem>>) src(%arg6 : memref<32x768xf32, #tpu.memory_space<vmem>>) dst(%dma_wait3A_388 : memref<32x768xf32, #tpu.memory_space<hbm>>)
    return
  }
}

module attributes {stable_mosaic.version = 14 : i64} {
  func.func @_rank_body(%arg0: i32, %arg1: memref<1x16x1024xf32, #tpu.memory_space<vmem>>, %arg2: memref<1x16x1024xi32, #tpu.memory_space<vmem>>, %arg3: memref<1x16x1024xf32, #tpu.memory_space<vmem>>, %arg4: memref<1x16x256xi32, #tpu.memory_space<vmem>>) attributes {dimension_semantics = [#tpu.dimension_semantics<arbitrary>], iteration_bounds = array<i64: 4>, scalar_prefetch = 0 : i64, scratch_operands = 0 : i64, tpu.core_type = #tpu.core_type<tc>, window_params = [{transform_indices = @transform_0, window_bounds = array<i64: 1, 16, 1024>}, {transform_indices = @transform_1, window_bounds = array<i64: 1, 16, 1024>}, {transform_indices = @transform_2, window_bounds = array<i64: 1, 16, 1024>}, {transform_indices = @transform_3, window_bounds = array<i64: 1, 16, 256>}]} {
    %get3A = arith.constant 0 : index
    %get3A_0 = arith.constant 0 : index
    %get3A_1 = arith.constant 0 : index
    %get3A_2 = vector.load %arg1[%get3A, %get3A_0, %get3A_1] : memref<1x16x1024xf32, #tpu.memory_space<vmem>>, vector<1x16x1024xf32>
    %reshape3A = vector.shape_cast %get3A_2 : vector<1x16x1024xf32> to vector<16x1024xf32>
    %transpose3A = tpu.transpose %reshape3A, [1, 0] : vector<16x1024xf32> -> vector<1024x16xf32>
    %iota3A = tpu.iota {dimensions = array<i32: 0>} : vector<1024x1024xi32>
    %iota3A_3 = tpu.iota {dimensions = array<i32: 1>} : vector<1024x1024xi32>
    %lt3A = arith.cmpi slt, %iota3A, %iota3A_3 : vector<1024x1024xi32>
    %slice3A = vector.extract_strided_slice %reshape3A {offsets = [0, 0], sizes = [1, 1024], strides = [1, 1]} : vector<16x1024xf32> to vector<1x1024xf32>
    %slice3A_4 = vector.extract_strided_slice %transpose3A {offsets = [0, 0], sizes = [1024, 1], strides = [1, 1]} : vector<1024x16xf32> to vector<1024x1xf32>
    %lt3A_5 = vector.broadcast %slice3A_4 : vector<1024x1xf32> to vector<1024x1024xf32>
    %lt3A_6 = vector.broadcast %slice3A : vector<1x1024xf32> to vector<1024x1024xf32>
    %lt3A_7 = arith.cmpf olt, %lt3A_5, %lt3A_6 : vector<1024x1024xf32>
    %eq3A = vector.broadcast %slice3A_4 : vector<1024x1xf32> to vector<1024x1024xf32>
    %eq3A_8 = vector.broadcast %slice3A : vector<1x1024xf32> to vector<1024x1024xf32>
    %eq3A_9 = arith.cmpf oeq, %eq3A, %eq3A_8 : vector<1024x1024xf32>
    %and3A = arith.andi %eq3A_9, %lt3A : vector<1024x1024xi1>
    %or3A = arith.ori %lt3A_7, %and3A : vector<1024x1024xi1>
    %convert_element_type3A = arith.extui %or3A : vector<1024x1024xi1> to vector<1024x1024xi32>
    %reduce_sum3A = arith.constant dense<0> : vector<1024xi32>
    %reduce_sum3A_10 = vector.multi_reduction <add>, %convert_element_type3A, %reduce_sum3A [0] : vector<1024x1024xi32> to vector<1024xi32>
    %broadcast_in_dim3A = vector.shape_cast %reduce_sum3A_10 : vector<1024xi32> to vector<1x1024xi32>
    %slice3A_11 = vector.extract_strided_slice %reshape3A {offsets = [1, 0], sizes = [1, 1024], strides = [1, 1]} : vector<16x1024xf32> to vector<1x1024xf32>
    %slice3A_12 = vector.extract_strided_slice %transpose3A {offsets = [0, 1], sizes = [1024, 1], strides = [1, 1]} : vector<1024x16xf32> to vector<1024x1xf32>
    %lt3A_13 = vector.broadcast %slice3A_12 : vector<1024x1xf32> to vector<1024x1024xf32>
    %lt3A_14 = vector.broadcast %slice3A_11 : vector<1x1024xf32> to vector<1024x1024xf32>
    %lt3A_15 = arith.cmpf olt, %lt3A_13, %lt3A_14 : vector<1024x1024xf32>
    %eq3A_16 = vector.broadcast %slice3A_12 : vector<1024x1xf32> to vector<1024x1024xf32>
    %eq3A_17 = vector.broadcast %slice3A_11 : vector<1x1024xf32> to vector<1024x1024xf32>
    %eq3A_18 = arith.cmpf oeq, %eq3A_16, %eq3A_17 : vector<1024x1024xf32>
    %and3A_19 = arith.andi %eq3A_18, %lt3A : vector<1024x1024xi1>
    %or3A_20 = arith.ori %lt3A_15, %and3A_19 : vector<1024x1024xi1>
    %convert_element_type3A_21 = arith.extui %or3A_20 : vector<1024x1024xi1> to vector<1024x1024xi32>
    %reduce_sum3A_22 = arith.constant dense<0> : vector<1024xi32>
    %reduce_sum3A_23 = vector.multi_reduction <add>, %convert_element_type3A_21, %reduce_sum3A_22 [0] : vector<1024x1024xi32> to vector<1024xi32>
    %broadcast_in_dim3A_24 = vector.shape_cast %reduce_sum3A_23 : vector<1024xi32> to vector<1x1024xi32>
    %slice3A_25 = vector.extract_strided_slice %reshape3A {offsets = [2, 0], sizes = [1, 1024], strides = [1, 1]} : vector<16x1024xf32> to vector<1x1024xf32>
    %slice3A_26 = vector.extract_strided_slice %transpose3A {offsets = [0, 2], sizes = [1024, 1], strides = [1, 1]} : vector<1024x16xf32> to vector<1024x1xf32>
    %lt3A_27 = vector.broadcast %slice3A_26 : vector<1024x1xf32> to vector<1024x1024xf32>
    %lt3A_28 = vector.broadcast %slice3A_25 : vector<1x1024xf32> to vector<1024x1024xf32>
    %lt3A_29 = arith.cmpf olt, %lt3A_27, %lt3A_28 : vector<1024x1024xf32>
    %eq3A_30 = vector.broadcast %slice3A_26 : vector<1024x1xf32> to vector<1024x1024xf32>
    %eq3A_31 = vector.broadcast %slice3A_25 : vector<1x1024xf32> to vector<1024x1024xf32>
    %eq3A_32 = arith.cmpf oeq, %eq3A_30, %eq3A_31 : vector<1024x1024xf32>
    %and3A_33 = arith.andi %eq3A_32, %lt3A : vector<1024x1024xi1>
    %or3A_34 = arith.ori %lt3A_29, %and3A_33 : vector<1024x1024xi1>
    %convert_element_type3A_35 = arith.extui %or3A_34 : vector<1024x1024xi1> to vector<1024x1024xi32>
    %reduce_sum3A_36 = arith.constant dense<0> : vector<1024xi32>
    %reduce_sum3A_37 = vector.multi_reduction <add>, %convert_element_type3A_35, %reduce_sum3A_36 [0] : vector<1024x1024xi32> to vector<1024xi32>
    %broadcast_in_dim3A_38 = vector.shape_cast %reduce_sum3A_37 : vector<1024xi32> to vector<1x1024xi32>
    %slice3A_39 = vector.extract_strided_slice %reshape3A {offsets = [3, 0], sizes = [1, 1024], strides = [1, 1]} : vector<16x1024xf32> to vector<1x1024xf32>
    %slice3A_40 = vector.extract_strided_slice %transpose3A {offsets = [0, 3], sizes = [1024, 1], strides = [1, 1]} : vector<1024x16xf32> to vector<1024x1xf32>
    %lt3A_41 = vector.broadcast %slice3A_40 : vector<1024x1xf32> to vector<1024x1024xf32>
    %lt3A_42 = vector.broadcast %slice3A_39 : vector<1x1024xf32> to vector<1024x1024xf32>
    %lt3A_43 = arith.cmpf olt, %lt3A_41, %lt3A_42 : vector<1024x1024xf32>
    %eq3A_44 = vector.broadcast %slice3A_40 : vector<1024x1xf32> to vector<1024x1024xf32>
    %eq3A_45 = vector.broadcast %slice3A_39 : vector<1x1024xf32> to vector<1024x1024xf32>
    %eq3A_46 = arith.cmpf oeq, %eq3A_44, %eq3A_45 : vector<1024x1024xf32>
    %and3A_47 = arith.andi %eq3A_46, %lt3A : vector<1024x1024xi1>
    %or3A_48 = arith.ori %lt3A_43, %and3A_47 : vector<1024x1024xi1>
    %convert_element_type3A_49 = arith.extui %or3A_48 : vector<1024x1024xi1> to vector<1024x1024xi32>
    %reduce_sum3A_50 = arith.constant dense<0> : vector<1024xi32>
    %reduce_sum3A_51 = vector.multi_reduction <add>, %convert_element_type3A_49, %reduce_sum3A_50 [0] : vector<1024x1024xi32> to vector<1024xi32>
    %broadcast_in_dim3A_52 = vector.shape_cast %reduce_sum3A_51 : vector<1024xi32> to vector<1x1024xi32>
    %slice3A_53 = vector.extract_strided_slice %reshape3A {offsets = [4, 0], sizes = [1, 1024], strides = [1, 1]} : vector<16x1024xf32> to vector<1x1024xf32>
    %slice3A_54 = vector.extract_strided_slice %transpose3A {offsets = [0, 4], sizes = [1024, 1], strides = [1, 1]} : vector<1024x16xf32> to vector<1024x1xf32>
    %lt3A_55 = vector.broadcast %slice3A_54 : vector<1024x1xf32> to vector<1024x1024xf32>
    %lt3A_56 = vector.broadcast %slice3A_53 : vector<1x1024xf32> to vector<1024x1024xf32>
    %lt3A_57 = arith.cmpf olt, %lt3A_55, %lt3A_56 : vector<1024x1024xf32>
    %eq3A_58 = vector.broadcast %slice3A_54 : vector<1024x1xf32> to vector<1024x1024xf32>
    %eq3A_59 = vector.broadcast %slice3A_53 : vector<1x1024xf32> to vector<1024x1024xf32>
    %eq3A_60 = arith.cmpf oeq, %eq3A_58, %eq3A_59 : vector<1024x1024xf32>
    %and3A_61 = arith.andi %eq3A_60, %lt3A : vector<1024x1024xi1>
    %or3A_62 = arith.ori %lt3A_57, %and3A_61 : vector<1024x1024xi1>
    %convert_element_type3A_63 = arith.extui %or3A_62 : vector<1024x1024xi1> to vector<1024x1024xi32>
    %reduce_sum3A_64 = arith.constant dense<0> : vector<1024xi32>
    %reduce_sum3A_65 = vector.multi_reduction <add>, %convert_element_type3A_63, %reduce_sum3A_64 [0] : vector<1024x1024xi32> to vector<1024xi32>
    %broadcast_in_dim3A_66 = vector.shape_cast %reduce_sum3A_65 : vector<1024xi32> to vector<1x1024xi32>
    %slice3A_67 = vector.extract_strided_slice %reshape3A {offsets = [5, 0], sizes = [1, 1024], strides = [1, 1]} : vector<16x1024xf32> to vector<1x1024xf32>
    %slice3A_68 = vector.extract_strided_slice %transpose3A {offsets = [0, 5], sizes = [1024, 1], strides = [1, 1]} : vector<1024x16xf32> to vector<1024x1xf32>
    %lt3A_69 = vector.broadcast %slice3A_68 : vector<1024x1xf32> to vector<1024x1024xf32>
    %lt3A_70 = vector.broadcast %slice3A_67 : vector<1x1024xf32> to vector<1024x1024xf32>
    %lt3A_71 = arith.cmpf olt, %lt3A_69, %lt3A_70 : vector<1024x1024xf32>
    %eq3A_72 = vector.broadcast %slice3A_68 : vector<1024x1xf32> to vector<1024x1024xf32>
    %eq3A_73 = vector.broadcast %slice3A_67 : vector<1x1024xf32> to vector<1024x1024xf32>
    %eq3A_74 = arith.cmpf oeq, %eq3A_72, %eq3A_73 : vector<1024x1024xf32>
    %and3A_75 = arith.andi %eq3A_74, %lt3A : vector<1024x1024xi1>
    %or3A_76 = arith.ori %lt3A_71, %and3A_75 : vector<1024x1024xi1>
    %convert_element_type3A_77 = arith.extui %or3A_76 : vector<1024x1024xi1> to vector<1024x1024xi32>
    %reduce_sum3A_78 = arith.constant dense<0> : vector<1024xi32>
    %reduce_sum3A_79 = vector.multi_reduction <add>, %convert_element_type3A_77, %reduce_sum3A_78 [0] : vector<1024x1024xi32> to vector<1024xi32>
    %broadcast_in_dim3A_80 = vector.shape_cast %reduce_sum3A_79 : vector<1024xi32> to vector<1x1024xi32>
    %slice3A_81 = vector.extract_strided_slice %reshape3A {offsets = [6, 0], sizes = [1, 1024], strides = [1, 1]} : vector<16x1024xf32> to vector<1x1024xf32>
    %slice3A_82 = vector.extract_strided_slice %transpose3A {offsets = [0, 6], sizes = [1024, 1], strides = [1, 1]} : vector<1024x16xf32> to vector<1024x1xf32>
    %lt3A_83 = vector.broadcast %slice3A_82 : vector<1024x1xf32> to vector<1024x1024xf32>
    %lt3A_84 = vector.broadcast %slice3A_81 : vector<1x1024xf32> to vector<1024x1024xf32>
    %lt3A_85 = arith.cmpf olt, %lt3A_83, %lt3A_84 : vector<1024x1024xf32>
    %eq3A_86 = vector.broadcast %slice3A_82 : vector<1024x1xf32> to vector<1024x1024xf32>
    %eq3A_87 = vector.broadcast %slice3A_81 : vector<1x1024xf32> to vector<1024x1024xf32>
    %eq3A_88 = arith.cmpf oeq, %eq3A_86, %eq3A_87 : vector<1024x1024xf32>
    %and3A_89 = arith.andi %eq3A_88, %lt3A : vector<1024x1024xi1>
    %or3A_90 = arith.ori %lt3A_85, %and3A_89 : vector<1024x1024xi1>
    %convert_element_type3A_91 = arith.extui %or3A_90 : vector<1024x1024xi1> to vector<1024x1024xi32>
    %reduce_sum3A_92 = arith.constant dense<0> : vector<1024xi32>
    %reduce_sum3A_93 = vector.multi_reduction <add>, %convert_element_type3A_91, %reduce_sum3A_92 [0] : vector<1024x1024xi32> to vector<1024xi32>
    %broadcast_in_dim3A_94 = vector.shape_cast %reduce_sum3A_93 : vector<1024xi32> to vector<1x1024xi32>
    %slice3A_95 = vector.extract_strided_slice %reshape3A {offsets = [7, 0], sizes = [1, 1024], strides = [1, 1]} : vector<16x1024xf32> to vector<1x1024xf32>
    %slice3A_96 = vector.extract_strided_slice %transpose3A {offsets = [0, 7], sizes = [1024, 1], strides = [1, 1]} : vector<1024x16xf32> to vector<1024x1xf32>
    %lt3A_97 = vector.broadcast %slice3A_96 : vector<1024x1xf32> to vector<1024x1024xf32>
    %lt3A_98 = vector.broadcast %slice3A_95 : vector<1x1024xf32> to vector<1024x1024xf32>
    %lt3A_99 = arith.cmpf olt, %lt3A_97, %lt3A_98 : vector<1024x1024xf32>
    %eq3A_100 = vector.broadcast %slice3A_96 : vector<1024x1xf32> to vector<1024x1024xf32>
    %eq3A_101 = vector.broadcast %slice3A_95 : vector<1x1024xf32> to vector<1024x1024xf32>
    %eq3A_102 = arith.cmpf oeq, %eq3A_100, %eq3A_101 : vector<1024x1024xf32>
    %and3A_103 = arith.andi %eq3A_102, %lt3A : vector<1024x1024xi1>
    %or3A_104 = arith.ori %lt3A_99, %and3A_103 : vector<1024x1024xi1>
    %convert_element_type3A_105 = arith.extui %or3A_104 : vector<1024x1024xi1> to vector<1024x1024xi32>
    %reduce_sum3A_106 = arith.constant dense<0> : vector<1024xi32>
    %reduce_sum3A_107 = vector.multi_reduction <add>, %convert_element_type3A_105, %reduce_sum3A_106 [0] : vector<1024x1024xi32> to vector<1024xi32>
    %broadcast_in_dim3A_108 = vector.shape_cast %reduce_sum3A_107 : vector<1024xi32> to vector<1x1024xi32>
    %slice3A_109 = vector.extract_strided_slice %reshape3A {offsets = [8, 0], sizes = [1, 1024], strides = [1, 1]} : vector<16x1024xf32> to vector<1x1024xf32>
    %slice3A_110 = vector.extract_strided_slice %transpose3A {offsets = [0, 8], sizes = [1024, 1], strides = [1, 1]} : vector<1024x16xf32> to vector<1024x1xf32>
    %lt3A_111 = vector.broadcast %slice3A_110 : vector<1024x1xf32> to vector<1024x1024xf32>
    %lt3A_112 = vector.broadcast %slice3A_109 : vector<1x1024xf32> to vector<1024x1024xf32>
    %lt3A_113 = arith.cmpf olt, %lt3A_111, %lt3A_112 : vector<1024x1024xf32>
    %eq3A_114 = vector.broadcast %slice3A_110 : vector<1024x1xf32> to vector<1024x1024xf32>
    %eq3A_115 = vector.broadcast %slice3A_109 : vector<1x1024xf32> to vector<1024x1024xf32>
    %eq3A_116 = arith.cmpf oeq, %eq3A_114, %eq3A_115 : vector<1024x1024xf32>
    %and3A_117 = arith.andi %eq3A_116, %lt3A : vector<1024x1024xi1>
    %or3A_118 = arith.ori %lt3A_113, %and3A_117 : vector<1024x1024xi1>
    %convert_element_type3A_119 = arith.extui %or3A_118 : vector<1024x1024xi1> to vector<1024x1024xi32>
    %reduce_sum3A_120 = arith.constant dense<0> : vector<1024xi32>
    %reduce_sum3A_121 = vector.multi_reduction <add>, %convert_element_type3A_119, %reduce_sum3A_120 [0] : vector<1024x1024xi32> to vector<1024xi32>
    %broadcast_in_dim3A_122 = vector.shape_cast %reduce_sum3A_121 : vector<1024xi32> to vector<1x1024xi32>
    %slice3A_123 = vector.extract_strided_slice %reshape3A {offsets = [9, 0], sizes = [1, 1024], strides = [1, 1]} : vector<16x1024xf32> to vector<1x1024xf32>
    %slice3A_124 = vector.extract_strided_slice %transpose3A {offsets = [0, 9], sizes = [1024, 1], strides = [1, 1]} : vector<1024x16xf32> to vector<1024x1xf32>
    %lt3A_125 = vector.broadcast %slice3A_124 : vector<1024x1xf32> to vector<1024x1024xf32>
    %lt3A_126 = vector.broadcast %slice3A_123 : vector<1x1024xf32> to vector<1024x1024xf32>
    %lt3A_127 = arith.cmpf olt, %lt3A_125, %lt3A_126 : vector<1024x1024xf32>
    %eq3A_128 = vector.broadcast %slice3A_124 : vector<1024x1xf32> to vector<1024x1024xf32>
    %eq3A_129 = vector.broadcast %slice3A_123 : vector<1x1024xf32> to vector<1024x1024xf32>
    %eq3A_130 = arith.cmpf oeq, %eq3A_128, %eq3A_129 : vector<1024x1024xf32>
    %and3A_131 = arith.andi %eq3A_130, %lt3A : vector<1024x1024xi1>
    %or3A_132 = arith.ori %lt3A_127, %and3A_131 : vector<1024x1024xi1>
    %convert_element_type3A_133 = arith.extui %or3A_132 : vector<1024x1024xi1> to vector<1024x1024xi32>
    %reduce_sum3A_134 = arith.constant dense<0> : vector<1024xi32>
    %reduce_sum3A_135 = vector.multi_reduction <add>, %convert_element_type3A_133, %reduce_sum3A_134 [0] : vector<1024x1024xi32> to vector<1024xi32>
    %broadcast_in_dim3A_136 = vector.shape_cast %reduce_sum3A_135 : vector<1024xi32> to vector<1x1024xi32>
    %slice3A_137 = vector.extract_strided_slice %reshape3A {offsets = [10, 0], sizes = [1, 1024], strides = [1, 1]} : vector<16x1024xf32> to vector<1x1024xf32>
    %slice3A_138 = vector.extract_strided_slice %transpose3A {offsets = [0, 10], sizes = [1024, 1], strides = [1, 1]} : vector<1024x16xf32> to vector<1024x1xf32>
    %lt3A_139 = vector.broadcast %slice3A_138 : vector<1024x1xf32> to vector<1024x1024xf32>
    %lt3A_140 = vector.broadcast %slice3A_137 : vector<1x1024xf32> to vector<1024x1024xf32>
    %lt3A_141 = arith.cmpf olt, %lt3A_139, %lt3A_140 : vector<1024x1024xf32>
    %eq3A_142 = vector.broadcast %slice3A_138 : vector<1024x1xf32> to vector<1024x1024xf32>
    %eq3A_143 = vector.broadcast %slice3A_137 : vector<1x1024xf32> to vector<1024x1024xf32>
    %eq3A_144 = arith.cmpf oeq, %eq3A_142, %eq3A_143 : vector<1024x1024xf32>
    %and3A_145 = arith.andi %eq3A_144, %lt3A : vector<1024x1024xi1>
    %or3A_146 = arith.ori %lt3A_141, %and3A_145 : vector<1024x1024xi1>
    %convert_element_type3A_147 = arith.extui %or3A_146 : vector<1024x1024xi1> to vector<1024x1024xi32>
    %reduce_sum3A_148 = arith.constant dense<0> : vector<1024xi32>
    %reduce_sum3A_149 = vector.multi_reduction <add>, %convert_element_type3A_147, %reduce_sum3A_148 [0] : vector<1024x1024xi32> to vector<1024xi32>
    %broadcast_in_dim3A_150 = vector.shape_cast %reduce_sum3A_149 : vector<1024xi32> to vector<1x1024xi32>
    %slice3A_151 = vector.extract_strided_slice %reshape3A {offsets = [11, 0], sizes = [1, 1024], strides = [1, 1]} : vector<16x1024xf32> to vector<1x1024xf32>
    %slice3A_152 = vector.extract_strided_slice %transpose3A {offsets = [0, 11], sizes = [1024, 1], strides = [1, 1]} : vector<1024x16xf32> to vector<1024x1xf32>
    %lt3A_153 = vector.broadcast %slice3A_152 : vector<1024x1xf32> to vector<1024x1024xf32>
    %lt3A_154 = vector.broadcast %slice3A_151 : vector<1x1024xf32> to vector<1024x1024xf32>
    %lt3A_155 = arith.cmpf olt, %lt3A_153, %lt3A_154 : vector<1024x1024xf32>
    %eq3A_156 = vector.broadcast %slice3A_152 : vector<1024x1xf32> to vector<1024x1024xf32>
    %eq3A_157 = vector.broadcast %slice3A_151 : vector<1x1024xf32> to vector<1024x1024xf32>
    %eq3A_158 = arith.cmpf oeq, %eq3A_156, %eq3A_157 : vector<1024x1024xf32>
    %and3A_159 = arith.andi %eq3A_158, %lt3A : vector<1024x1024xi1>
    %or3A_160 = arith.ori %lt3A_155, %and3A_159 : vector<1024x1024xi1>
    %convert_element_type3A_161 = arith.extui %or3A_160 : vector<1024x1024xi1> to vector<1024x1024xi32>
    %reduce_sum3A_162 = arith.constant dense<0> : vector<1024xi32>
    %reduce_sum3A_163 = vector.multi_reduction <add>, %convert_element_type3A_161, %reduce_sum3A_162 [0] : vector<1024x1024xi32> to vector<1024xi32>
    %broadcast_in_dim3A_164 = vector.shape_cast %reduce_sum3A_163 : vector<1024xi32> to vector<1x1024xi32>
    %slice3A_165 = vector.extract_strided_slice %reshape3A {offsets = [12, 0], sizes = [1, 1024], strides = [1, 1]} : vector<16x1024xf32> to vector<1x1024xf32>
    %slice3A_166 = vector.extract_strided_slice %transpose3A {offsets = [0, 12], sizes = [1024, 1], strides = [1, 1]} : vector<1024x16xf32> to vector<1024x1xf32>
    %lt3A_167 = vector.broadcast %slice3A_166 : vector<1024x1xf32> to vector<1024x1024xf32>
    %lt3A_168 = vector.broadcast %slice3A_165 : vector<1x1024xf32> to vector<1024x1024xf32>
    %lt3A_169 = arith.cmpf olt, %lt3A_167, %lt3A_168 : vector<1024x1024xf32>
    %eq3A_170 = vector.broadcast %slice3A_166 : vector<1024x1xf32> to vector<1024x1024xf32>
    %eq3A_171 = vector.broadcast %slice3A_165 : vector<1x1024xf32> to vector<1024x1024xf32>
    %eq3A_172 = arith.cmpf oeq, %eq3A_170, %eq3A_171 : vector<1024x1024xf32>
    %and3A_173 = arith.andi %eq3A_172, %lt3A : vector<1024x1024xi1>
    %or3A_174 = arith.ori %lt3A_169, %and3A_173 : vector<1024x1024xi1>
    %convert_element_type3A_175 = arith.extui %or3A_174 : vector<1024x1024xi1> to vector<1024x1024xi32>
    %reduce_sum3A_176 = arith.constant dense<0> : vector<1024xi32>
    %reduce_sum3A_177 = vector.multi_reduction <add>, %convert_element_type3A_175, %reduce_sum3A_176 [0] : vector<1024x1024xi32> to vector<1024xi32>
    %broadcast_in_dim3A_178 = vector.shape_cast %reduce_sum3A_177 : vector<1024xi32> to vector<1x1024xi32>
    %slice3A_179 = vector.extract_strided_slice %reshape3A {offsets = [13, 0], sizes = [1, 1024], strides = [1, 1]} : vector<16x1024xf32> to vector<1x1024xf32>
    %slice3A_180 = vector.extract_strided_slice %transpose3A {offsets = [0, 13], sizes = [1024, 1], strides = [1, 1]} : vector<1024x16xf32> to vector<1024x1xf32>
    %lt3A_181 = vector.broadcast %slice3A_180 : vector<1024x1xf32> to vector<1024x1024xf32>
    %lt3A_182 = vector.broadcast %slice3A_179 : vector<1x1024xf32> to vector<1024x1024xf32>
    %lt3A_183 = arith.cmpf olt, %lt3A_181, %lt3A_182 : vector<1024x1024xf32>
    %eq3A_184 = vector.broadcast %slice3A_180 : vector<1024x1xf32> to vector<1024x1024xf32>
    %eq3A_185 = vector.broadcast %slice3A_179 : vector<1x1024xf32> to vector<1024x1024xf32>
    %eq3A_186 = arith.cmpf oeq, %eq3A_184, %eq3A_185 : vector<1024x1024xf32>
    %and3A_187 = arith.andi %eq3A_186, %lt3A : vector<1024x1024xi1>
    %or3A_188 = arith.ori %lt3A_183, %and3A_187 : vector<1024x1024xi1>
    %convert_element_type3A_189 = arith.extui %or3A_188 : vector<1024x1024xi1> to vector<1024x1024xi32>
    %reduce_sum3A_190 = arith.constant dense<0> : vector<1024xi32>
    %reduce_sum3A_191 = vector.multi_reduction <add>, %convert_element_type3A_189, %reduce_sum3A_190 [0] : vector<1024x1024xi32> to vector<1024xi32>
    %broadcast_in_dim3A_192 = vector.shape_cast %reduce_sum3A_191 : vector<1024xi32> to vector<1x1024xi32>
    %slice3A_193 = vector.extract_strided_slice %reshape3A {offsets = [14, 0], sizes = [1, 1024], strides = [1, 1]} : vector<16x1024xf32> to vector<1x1024xf32>
    %slice3A_194 = vector.extract_strided_slice %transpose3A {offsets = [0, 14], sizes = [1024, 1], strides = [1, 1]} : vector<1024x16xf32> to vector<1024x1xf32>
    %lt3A_195 = vector.broadcast %slice3A_194 : vector<1024x1xf32> to vector<1024x1024xf32>
    %lt3A_196 = vector.broadcast %slice3A_193 : vector<1x1024xf32> to vector<1024x1024xf32>
    %lt3A_197 = arith.cmpf olt, %lt3A_195, %lt3A_196 : vector<1024x1024xf32>
    %eq3A_198 = vector.broadcast %slice3A_194 : vector<1024x1xf32> to vector<1024x1024xf32>
    %eq3A_199 = vector.broadcast %slice3A_193 : vector<1x1024xf32> to vector<1024x1024xf32>
    %eq3A_200 = arith.cmpf oeq, %eq3A_198, %eq3A_199 : vector<1024x1024xf32>
    %and3A_201 = arith.andi %eq3A_200, %lt3A : vector<1024x1024xi1>
    %or3A_202 = arith.ori %lt3A_197, %and3A_201 : vector<1024x1024xi1>
    %convert_element_type3A_203 = arith.extui %or3A_202 : vector<1024x1024xi1> to vector<1024x1024xi32>
    %reduce_sum3A_204 = arith.constant dense<0> : vector<1024xi32>
    %reduce_sum3A_205 = vector.multi_reduction <add>, %convert_element_type3A_203, %reduce_sum3A_204 [0] : vector<1024x1024xi32> to vector<1024xi32>
    %broadcast_in_dim3A_206 = vector.shape_cast %reduce_sum3A_205 : vector<1024xi32> to vector<1x1024xi32>
    %slice3A_207 = vector.extract_strided_slice %reshape3A {offsets = [15, 0], sizes = [1, 1024], strides = [1, 1]} : vector<16x1024xf32> to vector<1x1024xf32>
    %slice3A_208 = vector.extract_strided_slice %transpose3A {offsets = [0, 15], sizes = [1024, 1], strides = [1, 1]} : vector<1024x16xf32> to vector<1024x1xf32>
    %lt3A_209 = vector.broadcast %slice3A_208 : vector<1024x1xf32> to vector<1024x1024xf32>
    %lt3A_210 = vector.broadcast %slice3A_207 : vector<1x1024xf32> to vector<1024x1024xf32>
    %lt3A_211 = arith.cmpf olt, %lt3A_209, %lt3A_210 : vector<1024x1024xf32>
    %eq3A_212 = vector.broadcast %slice3A_208 : vector<1024x1xf32> to vector<1024x1024xf32>
    %eq3A_213 = vector.broadcast %slice3A_207 : vector<1x1024xf32> to vector<1024x1024xf32>
    %eq3A_214 = arith.cmpf oeq, %eq3A_212, %eq3A_213 : vector<1024x1024xf32>
    %and3A_215 = arith.andi %eq3A_214, %lt3A : vector<1024x1024xi1>
    %or3A_216 = arith.ori %lt3A_211, %and3A_215 : vector<1024x1024xi1>
    %convert_element_type3A_217 = arith.extui %or3A_216 : vector<1024x1024xi1> to vector<1024x1024xi32>
    %reduce_sum3A_218 = arith.constant dense<0> : vector<1024xi32>
    %reduce_sum3A_219 = vector.multi_reduction <add>, %convert_element_type3A_217, %reduce_sum3A_218 [0] : vector<1024x1024xi32> to vector<1024xi32>
    %broadcast_in_dim3A_220 = vector.shape_cast %reduce_sum3A_219 : vector<1024xi32> to vector<1x1024xi32>
    %concatenate3A = tpu.concatenate %broadcast_in_dim3A, %broadcast_in_dim3A_24, %broadcast_in_dim3A_38, %broadcast_in_dim3A_52, %broadcast_in_dim3A_66, %broadcast_in_dim3A_80, %broadcast_in_dim3A_94, %broadcast_in_dim3A_108, %broadcast_in_dim3A_122, %broadcast_in_dim3A_136, %broadcast_in_dim3A_150, %broadcast_in_dim3A_164, %broadcast_in_dim3A_178, %broadcast_in_dim3A_192, %broadcast_in_dim3A_206, %broadcast_in_dim3A_220 in 0 : vector<1x1024xi32>, vector<1x1024xi32>, vector<1x1024xi32>, vector<1x1024xi32>, vector<1x1024xi32>, vector<1x1024xi32>, vector<1x1024xi32>, vector<1x1024xi32>, vector<1x1024xi32>, vector<1x1024xi32>, vector<1x1024xi32>, vector<1x1024xi32>, vector<1x1024xi32>, vector<1x1024xi32>, vector<1x1024xi32>, vector<1x1024xi32> -> vector<16x1024xi32>
    %reshape3A_221 = vector.shape_cast %concatenate3A : vector<16x1024xi32> to vector<1x16x1024xi32>
    %swap3A = arith.constant 0 : index
    %swap3A_222 = arith.constant 0 : index
    %swap3A_223 = arith.constant 0 : index
    %swap3A_224 = vector.load %arg2[%swap3A, %swap3A_222, %swap3A_223] : memref<1x16x1024xi32, #tpu.memory_space<vmem>>, vector<1x16x1024xi32>
    tpu.vector_store %arg2[%swap3A, %swap3A_222, %swap3A_223], %reshape3A_221 {strides = array<i32>} : memref<1x16x1024xi32, #tpu.memory_space<vmem>>, vector<1x16x1024xi32>,
    %ge3A = arith.constant 256 : i32
    %ge3A_225 = vector.broadcast %ge3A : i32 to vector<16x1024xi32>
    %ge3A_226 = arith.cmpi sge, %concatenate3A, %ge3A_225 : vector<16x1024xi32>
    %convert_element_type3A_227 = arith.extui %ge3A_226 : vector<16x1024xi1> to vector<16x1024xi32>
    %convert_element_type3A_228 = arith.sitofp %convert_element_type3A_227 : vector<16x1024xi32> to vector<16x1024xf32>
    %reshape3A_229 = vector.shape_cast %convert_element_type3A_228 : vector<16x1024xf32> to vector<1x16x1024xf32>
    %swap3A_230 = arith.constant 0 : index
    %swap3A_231 = arith.constant 0 : index
    %swap3A_232 = arith.constant 0 : index
    %swap3A_233 = vector.load %arg3[%swap3A_230, %swap3A_231, %swap3A_232] : memref<1x16x1024xf32, #tpu.memory_space<vmem>>, vector<1x16x1024xf32>
    tpu.vector_store %arg3[%swap3A_230, %swap3A_231, %swap3A_232], %reshape3A_229 {strides = array<i32>} : memref<1x16x1024xf32, #tpu.memory_space<vmem>>, vector<1x16x1024xf32>,
    %reshape3A_234 = vector.shape_cast %concatenate3A : vector<16x1024xi32> to vector<16x1x1024xi32>
    %iota3A_235 = tpu.iota {dimensions = array<i32: 1>} : vector<16x256x1024xi32>
    %eq3A_236 = vector.broadcast %reshape3A_234 : vector<16x1x1024xi32> to vector<16x256x1024xi32>
    %eq3A_237 = arith.cmpi eq, %eq3A_236, %iota3A_235 : vector<16x256x1024xi32>
    %iota3A_238 = tpu.iota {dimensions = array<i32: 2>} : vector<16x256x1024xi32>
    %iota3A_239 = tpu.iota {dimensions = array<i32: 0>} : vector<16x256x1024xi32>
    %mul3A = arith.constant 16 : i32
    %mul3A_240 = arith.muli %arg0, %mul3A : i32
    %add3A = vector.broadcast %mul3A_240 : i32 to vector<16x256x1024xi32>
    %add3A_241 = arith.addi %iota3A_239, %add3A : vector<16x256x1024xi32>
    %mul3A_242 = arith.constant 1024 : i32
    %mul3A_243 = vector.broadcast %mul3A_242 : i32 to vector<16x256x1024xi32>
    %mul3A_244 = arith.muli %add3A_241, %mul3A_243 : vector<16x256x1024xi32>
    %add3A_245 = arith.addi %iota3A_238, %mul3A_244 : vector<16x256x1024xi32>
    %jit3A = arith.constant 0 : i32
    %broadcast_in_dim3A_246 = vector.broadcast %jit3A : i32 to vector<16x256x1024xi32>
    %select_n3A = arith.select %eq3A_237, %add3A_245, %broadcast_in_dim3A_246 : vector<16x256x1024xi1>, vector<16x256x1024xi32>
    %reduce_sum3A_247 = arith.constant dense<0> : vector<16x256xi32>
    %reduce_sum3A_248 = vector.multi_reduction <add>, %select_n3A, %reduce_sum3A_247 [2] : vector<16x256x1024xi32> to vector<16x256xi32>
    %reshape3A_249 = vector.shape_cast %reduce_sum3A_248 : vector<16x256xi32> to vector<1x16x256xi32>
    %swap3A_250 = arith.constant 0 : index
    %swap3A_251 = arith.constant 0 : index
    %swap3A_252 = arith.constant 0 : index
    %swap3A_253 = vector.load %arg4[%swap3A_250, %swap3A_251, %swap3A_252] : memref<1x16x256xi32, #tpu.memory_space<vmem>>, vector<1x16x256xi32>
    tpu.vector_store %arg4[%swap3A_250, %swap3A_251, %swap3A_252], %reshape3A_249 {strides = array<i32>} : memref<1x16x256xi32, #tpu.memory_space<vmem>>, vector<1x16x256xi32>,
    return
  }
  func.func @transform_0(%arg0: i32) -> (i32, i32, i32) {
    %c0_i32 = arith.constant 0 : i32
    %c0_i32_0 = arith.constant 0 : i32
    %c0_i32_1 = arith.constant 0 : i32
    return %arg0, %c0_i32, %c0_i32_0 : i32, i32, i32
  }
  func.func @transform_1(%arg0: i32) -> (i32, i32, i32) {
    %c0_i32 = arith.constant 0 : i32
    %c0_i32_0 = arith.constant 0 : i32
    %c0_i32_1 = arith.constant 0 : i32
    return %arg0, %c0_i32, %c0_i32_0 : i32, i32, i32
  }
  func.func @transform_2(%arg0: i32) -> (i32, i32, i32) {
    %c0_i32 = arith.constant 0 : i32
    %c0_i32_0 = arith.constant 0 : i32
    %c0_i32_1 = arith.constant 0 : i32
    return %arg0, %c0_i32, %c0_i32_0 : i32, i32, i32
  }
  func.func @transform_3(%arg0: i32) -> (i32, i32, i32) {
    %c0_i32 = arith.constant 0 : i32
    %c0_i32_0 = arith.constant 0 : i32
    %c0_i32_1 = arith.constant 0 : i32
    return %arg0, %c0_i32, %c0_i32_0 : i32, i32, i32
  }
}

</mosaic_0001>

<sc_bundles>
// kernel: kernel.4.cloned.1.call-start
scs
__scs_entry_jumppad:
0x0: {  	(pc) =	sbr.rel $0x88, $3  }
0x1: {  	(tag) =	ssettag $0x0;
	lr =	simm.s32 $0x1  }
0x2: {  	[smem:$0x3F9F] =	sst lr;
	_ =	strace $0xD0000000  }
0x3: {  	_ = 	snop  }
0x4: {  	_ = 	snop  }
0x5: {  	_ = 	snop  }
0x6: {  	_ = 	snop  }
0x7: {  	_ = 	snop  }
__scs_overlays_trampoline_lowered:
0x8: {  	[smem:$0x3FAE] =	sst s0  }
0x9: {  	[smem:$0x3FAF] =	sst s1  }
0xa: {  	[smem:$0x3FB0] =	sst s2  }
0xb: {  	[smem:$0x3FB1] =	sst s3  }
0xc: {  	[smem:$0x3FB2] =	sst s4  }
0xd: {  	[smem:$0x3FB3] =	sst s5  }
0xe: {  	[smem:$0x3FB4] =	sst s6  }
0xf: {  	[smem:$0x3FB5] =	sst s7  }
0x10: {  	[smem:$0x3FB6] =	sst s8  }
0x11: {  	[smem:$0x3FB7] =	sst s9;
	s0 =	simm.s32 @!p0 $0x0  }
0x12: {  	s1 =	sld [smem:$0x3F9D];
	s0 =	simm.s32 @p0 $0x1  }
0x13: {  	[smem:$0x3FB8] =	sst s0;
	s0 =	simm.s32 @!p1 $0x0  }
0x14: {  	s2 =	sld [smem:$0x3F9C];
	s0 =	simm.s32 @p1 $0x1  }
0x15: {  	[smem:$0x3FB9] =	sst s0;
	s0 =	simm.s32 @!p2 $0x0  }
0x16: {  	s3 =	sld [smem:$0x3FDB];
	s0 =	simm.s32 @p2 $0x1  }
0x17: {  	s4 =	simm.s32 $0x1BF5;
	[smem:$0x3FBB] =	sst s0  }
0x18: {  	s0 =	sld [smem:$0x3F9E];
	_ =	swait.ge [sflag:s4], $0x0  }
0x19: {  	s7 =	sld [smem:$0x3F9F]  }
0x1a: {  	s8 =	sadd.s32 $0xFFFFE003, lr  }
0x1b: {  	s9 =	sadd.s32 $0xFFFFFEF7, lr;
	s5 =	simm.s32 $0xFFFFFFFF;
	p2 =	slt.u32 s8, $0xFFFFF086  }
0x1c: {  	p1 =	slt.u32 s9, $0xF7A;
	s5 =	simm.s32 @!p2 $0x0  }
0x1d: {  	s5 =	simm.s32 @p1 $0x1;
	p0 =	seq.s32 s7, s2  }
0x1e: {  	s7 =	smul.u32 @!p0 $0xF7A, s2;
	p2 =	seq.s32 @!p0 s5, $0x0  }
0x1f: {  	s9 =	smul.u32 $0xF7A, s1;
	s8 =	simm.s32 @!p0 $0x1BF5;
	p2 =	por !p2, p0  }
0x20: {  	[sflag:s8] =	ssyncset.s32 @!p0 $0xFFFFF086;
	s6 =	sadd.s32 @!p0 s3, s7;
	s7 =	simm.s32 @!p0 $0x108  }
0x21: {  	s3 =	sadd.s32 s3, s9;
	s6 =	sadd.s32 @!p0 $0x88, s6;
	s7 =	simm.s32 @p2 $0x1082  }
0x22: {  	[simem:s7], [sflag:s8] =	dma.local @!p0 [hbm:s6], $0xF7A  }
0x23: {  	s9 =	sor.u32 $0xD0000000, s2;
	s6 =	simm.s32 $0x108;
	_ =	swait.ge @!p0 [sflag:s8], $0x0  }
0x24: {  	s3 =	sadd.s32 $0x88, s3;
	s6 =	simm.s32 @!p1 $0x1082;
	[sflag:s4] =	ssyncset.s32 $0xFFFFF086  }
0x25: {  	[simem:s6], [sflag:s4] =	dma.local [hbm:s3], $0xF7A  }
0x26: {  	[smem:$0x3F9F] =	sst s1;
	(tag) =	ssettag s2;
	_ =	strace s9  }
0x27: {  	s1 =	sld [smem:$0x3FAF]  }
0x28: {  	s2 =	sld [smem:$0x3FB0]  }
0x29: {  	s4 =	sld [smem:$0x3FB2]  }
0x2a: {  	p0 =	seq.s32 s5, $0x0;
	s5 =	sld [smem:$0x3FB3]  }
0x2b: {  	s6 =	sld [smem:$0x3FB4]  }
0x2c: {  	s7 =	sld [smem:$0x3FB5]  }
0x2d: {  	s3 =	simm.s32 $0x108;
	s8 =	sld [smem:$0x3FB6]  }
0x2e: {  	s3 =	simm.s32 @!p0 $0x1082;
	s9 =	sld [smem:$0x3FB7]  }
0x2f: {  	lr =	sadd.s32 s0, s3;
	s0 =	sld [smem:$0x3FAE]  }
0x30: {  	s3 =	sld [smem:$0x3FB1]  }
0x31: {  	[smem:$0x3FBA] =	sst s10  }
0x32: {  	s10 =	sld [smem:$0x3FB8];
	_ =	sdelay $0x3  }
0x33: {  	p0 =	seq.s32 s10, $0x1;
	s10 =	sld [smem:$0x3FBA];
	_ =	sdelay $0x3  }
0x34: {  	[smem:$0x3FBA] =	sst s10  }
0x35: {  	s10 =	sld [smem:$0x3FB9];
	_ =	sdelay $0x3  }
0x36: {  	p1 =	seq.s32 s10, $0x1;
	s10 =	sld [smem:$0x3FBA];
	_ =	sdelay $0x3  }
0x37: {  	[smem:$0x3FBA] =	sst s10  }
0x38: {  	s10 =	sld [smem:$0x3FBB]  }
0x39: {  	_ = 	snop;
	(pc) =	sbr.ind lr, $3  }
0x3a: {  	_ = 	snop  }
0x3b: {  	_ = 	snop  }
0x3c: {  	p2 =	seq.s32 s10, $0x1;
	s10 =	sld [smem:$0x3FBA]  }
0x3d: {  	_ =	shalt  }
0x3e: {  	_ =	shalt  }
0x3f: {  	_ =	shalt  }
0x40: {  	_ =	shalt  }
0x41: {  	_ =	shalt  }
0x42: {  	_ =	shalt  }
0x43: {  	_ =	shalt  }
0x44: {  	_ =	shalt  }
0x45: {  	_ =	shalt  }
0x46: {  	_ =	shalt  }
0x47: {  	_ =	shalt  }
0x48: {  	_ =	shalt  }
0x49: {  	_ =	shalt  }
0x4a: {  	_ =	shalt  }
0x4b: {  	_ =	shalt  }
0x4c: {  	_ =	shalt  }
0x4d: {  	_ =	shalt  }
0x4e: {  	_ =	shalt  }
0x4f: {  	_ =	shalt  }
0x50: {  	_ =	shalt  }
0x51: {  	_ =	shalt  }
0x52: {  	_ =	shalt  }
0x53: {  	_ =	shalt  }
0x54: {  	_ =	shalt  }
0x55: {  	_ =	shalt  }
0x56: {  	_ =	shalt  }
0x57: {  	_ =	shalt  }
0x58: {  	_ =	shalt  }
0x59: {  	_ =	shalt  }
0x5a: {  	_ =	shalt  }
0x5b: {  	_ =	shalt  }
0x5c: {  	_ =	shalt  }
0x5d: {  	_ =	shalt  }
0x5e: {  	_ =	shalt  }
0x5f: {  	_ =	shalt  }
0x60: {  	_ =	shalt  }
0x61: {  	_ =	shalt  }
0x62: {  	_ =	shalt  }
0x63: {  	_ =	shalt  }
0x64: {  	_ =	shalt  }
0x65: {  	_ =	shalt  }
0x66: {  	_ =	shalt  }
0x67: {  	_ =	shalt  }
0x68: {  	_ =	shalt  }
0x69: {  	_ =	shalt  }
0x6a: {  	_ =	shalt  }
0x6b: {  	_ =	shalt  }
0x6c: {  	_ =	shalt  }
0x6d: {  	_ =	shalt  }
0x6e: {  	_ =	shalt  }
0x6f: {  	_ =	shalt  }
0x70: {  	_ =	shalt  }
0x71: {  	_ =	shalt  }
0x72: {  	_ =	shalt  }
0x73: {  	_ =	shalt  }
0x74: {  	_ =	shalt  }
0x75: {  	_ =	shalt  }
0x76: {  	_ =	shalt  }
0x77: {  	_ =	shalt  }
0x78: {  	_ =	shalt  }
0x79: {  	_ =	shalt  }
0x7a: {  	_ =	shalt  }
0x7b: {  	_ =	shalt  }
0x7c: {  	_ =	shalt  }
0x7d: {  	_ =	shalt  }
0x7e: {  	_ =	shalt  }
0x7f: {  	_ =	shalt  }
0x80: {  	_ =	shalt  }
0x81: {  	_ =	shalt  }
0x82: {  	_ =	shalt  }
0x83: {  	_ =	shalt  }
0x84: {  	_ =	shalt  }
0x85: {  	_ =	shalt  }
0x86: {  	_ =	shalt  }
0x87: {  	_ =	shalt  }
.Lfunc_end0:
.L_simem_size_0:
called_computation_lowered:
.L_overlay_start_0:
0x88: {  	s2 =	sld [smem:$0x3FD9]  }
0x89: {  	s3 =	sld [smem:$0x3FFE];
	_ =	sdelay $0x1  }
0x8a: {  	s1 =	srdreg.scid  }
0x8b: {  	s0 =	sand.u32 $0x1, s1  }
0x8c: {  	s14 =	sshll.u32 s0, $0xA;
	s2 =	sadd.s32 s3, s2  }
0x8d: {  	s2 =	sadd.s32 s2, s14  }
0x8e: {  	[smem:$0x3FC6] =	sst s2  }
0x8f: {  	_ = 	snop  }
0x90: {  	s2 =	sld [smem:$0x3FD0];
	_ =	sdelay $0x2  }
0x91: {  	s4 =	simm.s32 $0xA;
	s5 =	simm.s32 $0x10;
	s15 =	sld [smem:$0x3FC9]  }
0x92: {  	[smem:s5], [sflag:s4] =	dma.local [hbm:s2], $0x1  }
0x93: {  	_ =	swait.eq [sflag:s4], $0x1  }
0x94: {  	[sflag:s4] =	ssyncset.done $0x0  }
0x95: {  	[sflag:s4] =	ssyncadd.s32 $0xFFFFFFFF  }
0x96: {  	s16 =	sld [smem:$0x10];
	(tm) =	ssettm $0x1  }
0x97: {  	s17 =	sld [smem:$0x3FFB];
	_ =	sdelay $0x3  }
0x98: {  	_ =	strace s17  }
0x99: {  	s4 =	sld [smem:$0x3FFC];
	_ =	sdelay $0x3  }
0x9a: {  	_ =	strace s4  }
0x9b: {  	s4 =	sld [smem:$0x3FFD];
	_ =	sdelay $0x3  }
0x9c: {  	_ =	strace s4  }
0x9d: {  	_ =	strace $0x8FFFFFFF  }
0x9e: {  	s18 =	sld [smem:$0x3FDB];
	_ =	sdelay $0x1  }
0x9f: {  	s19 =	simm.s32 $_scs_section_size  }
0xa0: {  	s6 =	simm.s32 $_size__tile_overlayer_lowered;
	s7 =	simm.s32 $_tile_overlayer_lowered  }
0xa1: {  	s22 =	simm.s32 $0x1BFF;
	s21 =	sshll.u32 s7, $0x1;
	s4 =	sadd.s32 s19, s18  }
0xa2: {  	s8 =	simm.s32 $0x0;
	s20 =	sshll.u32 s6, $0x1;
	s6 =	sadd.s32 s21, s4  }
0xa3: {  	[timem:s8], [sflag:s22] =	dma.local [hbm:s6], s20  }
0xa4: {  	_ =	swait.ge [sflag:s22], s20  }
0xa5: {  	s5 =	ssub.s32 $0x0, s20;
	[sflag:s22] =	ssyncset.done $0x0  }
0xa6: {  	[sflag:s22] =	ssyncadd.s32 s5;
	_ =	sdelay $0x1  }
0xa7: {  	s23 =	simm.s32 $0x1B8B  }
0xa8: {  	_ =	swait.ge [sflag:s23], $0x1  }
0xa9: {  	[sflag:s23] =	ssyncset.done $0x0  }
0xaa: {  	s25 =	simm.s32 $0x1B8E;
	s24 =	sld [smem:$0x3FFE];
	[sflag:s23] =	ssyncadd.s32 $0xFFFFFFFF  }
0xab: {  	s26 =	simm.s32 $execute0_lowered;
	[smem:$0x3FD2] =	sst s25  }
0xac: {  	s6 =	sshll.u32 s26, $0x1;
	_ =	strace $0x80000046;
	[dreg:$0x1] =	wrdreg $0xFFFFFFFF  }
0xad: {  	s28 =	simm.s32 $_size_execute0_lowered;
	s4 =	sadd.s32 s4, s6;
	[dreg:$0x0] =	wrdreg $0x0  }
0xae: {  	s6 =	sshll.u32 s28, $0x1;
	[dreg:$0x2] =	wrdreg s4  }
0xaf: {  	[dreg:$0x3] =	wrdreg s6  }
0xb0: {  	[dreg:$0x4] =	wrdreg $0xC0  }
0xb1: {  	_ =	task [dreg:s8], $0x5FFFF  }
0xb2: {  	[dreg:$0x1] =	wrdreg $0xFFFFFFFF  }
0xb3: {  	[dreg:$0x0] =	wrdreg $0x60  }
0xb4: {  	[dreg:$0x2] =	wrdreg s15  }
0xb5: {  	[dreg:$0x3] =	wrdreg s24  }
0xb6: {  	[dreg:$0x4] =	wrdreg s16  }
0xb7: {  	[dreg:$0x5] =	wrdreg $0x9  }
0xb8: {  	_ =	task.clear_ibuf [dreg:s8], $0x6FFFF;
	_ =	strace $0x90000046  }
0xb9: {  	s29 =	simm.s32 $0x9;
	_ =	strace $0x80000048  }
0xba: {  	_ =	swait.ge [sflag:s29], $0x1  }
0xbb: {  	[sflag:s29] =	ssyncadd.s32 $0xFFFFFFFF  }
0xbc: {  	_ =	strace $0x90000048  }
0xbd: {  	_ =	sfence  }
0xbe: {  	s30 =	sld [smem:$0x0];
	_ =	sdelay $0x2  }
0xbf: {  	s31 =	sshll.u32 s1, $0xD;
	s1 =	sshrl.u32 s1, $0x2  }
0xc0: {  	s3 =	sand.u32 $0x4000, s31;
	s1 =	sadd.s32 s1, s30  }
0xc1: {  	s0 =	sor.u32 s3, s0;
	s1 =	sshll.u32 s1, $0x11  }
0xc2: {  	s0 =	sor.u32 s1, s0  }
0xc3: {  	s0 =	sadd.s32 $0x8F2B, s0  }
0xc4: {  	[sflag:s0] =	ssyncadd.remote.s32 $0x1  }
0xc5: {  	_ =	sfence.sel $0xFFFF  }
0xc6: {  	[dreg:$0x0] =	wrdreg $0xFFFFFFFF;
	(pc) =	sbr.abs _section_cstart, $3  }
0xc7: {  	[dreg:$0x1] =	wrdreg $0xFFFFFFFF  }
0xc8: {  	_ =	task.clear_ibuf [dreg:s8], $0x2FFFF;
	_ =	strace $0x9FFFFFFF  }
0xc9: {  	(tm) =	ssettm $0x7FFFFFFF  }
tec
execute0_lowered:
.L_overlay_start_1:
0x0: {  	(tag) =	ssettag $0x1  }
0x1: {  	s1 =	rddreg [dreg:$0x0]  }
0x2: {  	s0 =	rddreg [dreg:$0x1]  }
0x3: {  	s5 =	stileid.u32;
	s2 =	srdreg.scid  }
0x4: {  	s4 =	rddreg [dreg:$0x2];
	s2 =	sand.u32 $0x1, s2;
	s3 =	sshll.u32 s5, $0x1  }
0x5: {  	s29 =	simm.s32 $0x3;
	s5 =	sshll.u32 s5, $0x7;
	s6 =	sor.u32 s2, s3  }
0x6: {  	s3 =	simm.s32 $0x0;
	s5 =	sand.u32 $0x700, s5;
	s26 =	smul.u32 $0xC000, s6  }
0x7: {  	s7 =	sshll.u32 s6, $0x5;
	s0 =	sadd.s32 s5, s0;
	[smem:$0x7FF] =	sst s3  }
0x8: {  	s25 =	sand.u32 $0x60, s7;
	_ =	strace $0x80000047;
	s7 =	sadd.s32 s4, s26  }
0x9: {  	s0 =	sadd.s32 s25, s0;
	s25 =	simm.s32 $0x100;
	[dreg:$0x16] =	wrdreg s7  }
0xa: {  	s30 =	simm.s32 $0x6;
	s26 =	simm.s32 $0x400;
	[dreg:$0x14] =	wrdreg s25  }
0xb: {  	s31 =	simm.s32 $0x4;
	s0 =	sadd.s32 $0xA00, s0;
	[dreg:$0x15] =	wrdreg s26  }
0xc: {  	s28 =	simm.s32 $0xA;
	s8 =	sadd.s32 $0xC00, s7;
	[dreg:$0x4] =	wrdreg s0  }
0xd: {  	s10 =	smul.u32 $0x60000, s6;
	s9 =	sadd.s32 $0x1800, s7;
	[dreg:$0x5] =	wrdreg s8  }
0xe: {  	s2 =	ssub.s32 $0x2, s2;
	s11 =	sadd.s32 $0x2400, s7;
	[dreg:$0x6] =	wrdreg s9  }
0xf: {  	s5 =	sshrl.u32 s10, $0x3;
	s12 =	sadd.s32 $0x3000, s7;
	[dreg:$0x7] =	wrdreg s11  }
0x10: {  	s13 =	sadd.s32 $0x3C00, s7;
	s4 =	sadd.s32 s4, s5;
	[dreg:$0x8] =	wrdreg s12  }
0x11: {  	s21 =	sshrl.u32 s2, $0x1;
	[dreg:$0x9] =	wrdreg s13;
	s14 =	sadd.s32 $0x4800, s4  }
0x12: {  	s6 =	sadd.s32 $0x200, s1;
	s15 =	sadd.s32 $0x5400, s4;
	[dreg:$0xa] =	wrdreg s14  }
0x13: {  	s2 =	ssub.s32 s2, s21;
	s16 =	sadd.s32 $0x6000, s4;
	[dreg:$0xb] =	wrdreg s15  }
0x14: {  	s21 =	simm.s32 $0xC200;
	s17 =	sadd.s32 $0x6C00, s4;
	[dreg:$0xc] =	wrdreg s16  }
0x15: {  	s5 =	sadd.s32 $0x100, s1;
	s18 =	sadd.s32 $0x7800, s4;
	[dreg:$0xd] =	wrdreg s17  }
0x16: {  	s7 =	smax.u32 s2, $0x1;
	s19 =	sadd.s32 $0x8400, s4;
	[dreg:$0xe] =	wrdreg s18  }
0x17: {  	s2 =	simm.s32 $0x7;
	s20 =	sadd.s32 $0x9000, s4;
	[dreg:$0xf] =	wrdreg s19  }
0x18: {  	s25 =	simm.s32 $0x8;
	s22 =	sadd.s32 $0x9C00, s4;
	[dreg:$0x10] =	wrdreg s20  }
0x19: {  	s26 =	simm.s32 $0x9;
	s23 =	sadd.s32 $0xA800, s4;
	[dreg:$0x11] =	wrdreg s22  }
0x1a: {  	v2 =	vlaneseq.u32;
	s24 =	sadd.s32 $0xB400, s4;
	s0 =	simm.s32 $0x1;
	[dreg:$0x12] =	wrdreg s23  }
0x1b: {  	vm0 =	vmmov $0xffff;
	v1 =	vshrl.u32 v2, $0x3;
	s9 =	simm.s32 $0x12200;
	[dreg:$0x13] =	wrdreg s24;
	s20 =	simm.s32 $0x200  }
0x1c: {  	v0 =	vand.u32 $0x7, v2;
	v2 =	vor.u32 $0x8, v2;
	v1 =	vmul.u32 $0x8, v1;
	s23 =	simm.s32 $0x2;
	s22 =	simm.s32 $0x5;
	s24 =	simm.s32 $0x18200  }
.LBB2_1:
0x1d: {  	s10 =	rddreg [dreg:$0x4]  }
0x1e: {  	s11 =	rddreg [dreg:$0x14]  }
0x1f: {  	s12 =	rddreg [dreg:$0x15];
	s16 =	simm.s32 $0xB  }
0x20: {  	[tilespmem:s3], [sflag:$0xB] =	stream.strided.gather [hbm4b:s10+s11], $0x200, s12, s11, $0x38;
	[tilespmem:$0x1E200] =	vst v63  }
0x21: {  	_ =	swait.ge [sflag:s16], $0x200  }
0x22: {  	[sflag:s16] =	ssyncset.done $0x0  }
0x23: {  	[sflag:s16] =	ssyncadd.s32 $0xFFFFFE00  }
0x24: {  	v3 =	vld [tilespmem:$0x0];
	_ =	sdelay $0x4  }
0x25: {  	v4 =	vshrl.u32 v3, $0x3  }
0x26: {  	v4 =	vmul.u32 $0x30, v4  }
0x27: {  	v3 =	vand.u32 $0x7, v3  }
0x28: {  	v3 =	vor.u32 v3, v4  }
0x29: {  	v4 =	vperm.xlane v3, v0;
	_ =	sdelay $0x1  }
0x2a: {  	v4 =	vadd.s32 v1, v4;
	_ =	sdelay $0x3  }
0x2b: {  	v3 =	vperm.xlane v3, v2  }
0x2c: {  	[tilespmem:s20], [sflag:$0x1] =	stream.indirect_vreg.gather [hbm4b:s1+s3], $0x80, v4, vm0, $0xb8;
	[tilespmem:$0x1E200] =	vst v63  }
0x2d: {  	s4 =	simm.s32 $0xA00;
	v3 =	vadd.s32 v1, v3  }
0x2e: {  	[tilespmem:s4], [sflag:$0x1] =	stream.indirect_vreg.gather [hbm4b:s5+s3], $0x80, v4, vm0, $0xb8;
	[tilespmem:$0x1E200] =	vst v63  }
0x2f: {  	s17 =	simm.s32 $0x1200  }
0x30: {  	[tilespmem:s17], [sflag:$0x1] =	stream.indirect_vreg.gather [hbm4b:s6+s3], $0x80, v4, vm0, $0xb8;
	[tilespmem:$0x1E200] =	vst v63  }
0x31: {  	s18 =	simm.s32 $0x1A00  }
0x32: {  	[tilespmem:s18], [sflag:$0x1] =	stream.indirect_vreg.gather [hbm4b:s1+s3], $0x80, v3, vm0, $0xb8;
	[tilespmem:$0x1E200] =	vst v63  }
0x33: {  	s19 =	simm.s32 $0x2200  }
0x34: {  	[tilespmem:s19], [sflag:$0x1] =	stream.indirect_vreg.gather [hbm4b:s5+s3], $0x80, v3, vm0, $0xb8;
	[tilespmem:$0x1E200] =	vst v63  }
0x35: {  	s8 =	simm.s32 $0x2A00  }
0x36: {  	[tilespmem:s8], [sflag:$0x1] =	stream.indirect_vreg.gather [hbm4b:s6+s3], $0x80, v3, vm0, $0xb8;
	[tilespmem:$0x1E200] =	vst v63  }
0x37: {  	v3 =	vld [tilespmem:$0x10];
	_ =	sdelay $0x4  }
0x38: {  	v33 =	vshrl.u32 v3, $0x3  }
0x39: {  	v4 =	vmul.u32 $0x30, v33  }
0x3a: {  	v3 =	vand.u32 $0x7, v3  }
0x3b: {  	v3 =	vor.u32 v3, v4  }
0x3c: {  	v4 =	vperm.xlane v3, v0;
	_ =	sdelay $0x1  }
0x3d: {  	v4 =	vadd.s32 v1, v4;
	_ =	sdelay $0x3  }
0x3e: {  	s10 =	simm.s32 $0x3200;
	v3 =	vperm.xlane v3, v2  }
0x3f: {  	[tilespmem:s10], [sflag:$0x1] =	stream.indirect_vreg.gather [hbm4b:s1+s3], $0x80, v4, vm0, $0xb8;
	[tilespmem:$0x1E200] =	vst v63  }
0x40: {  	s11 =	simm.s32 $0x3A00;
	v3 =	vadd.s32 v1, v3  }
0x41: {  	[tilespmem:s11], [sflag:$0x1] =	stream.indirect_vreg.gather [hbm4b:s5+s3], $0x80, v4, vm0, $0xb8;
	[tilespmem:$0x1E200] =	vst v63  }
0x42: {  	s12 =	simm.s32 $0x4200  }
0x43: {  	[tilespmem:s12], [sflag:$0x1] =	stream.indirect_vreg.gather [hbm4b:s6+s3], $0x80, v4, vm0, $0xb8;
	[tilespmem:$0x1E200] =	vst v63  }
0x44: {  	s13 =	simm.s32 $0x4A00  }
0x45: {  	[tilespmem:s13], [sflag:$0x1] =	stream.indirect_vreg.gather [hbm4b:s1+s3], $0x80, v3, vm0, $0xb8;
	[tilespmem:$0x1E200] =	vst v63  }
0x46: {  	s14 =	simm.s32 $0x5200  }
0x47: {  	[tilespmem:s14], [sflag:$0x1] =	stream.indirect_vreg.gather [hbm4b:s5+s3], $0x80, v3, vm0, $0xb8;
	[tilespmem:$0x1E200] =	vst v63  }
0x48: {  	s15 =	simm.s32 $0x5A00  }
0x49: {  	[tilespmem:s15], [sflag:$0x1] =	stream.indirect_vreg.gather [hbm4b:s6+s3], $0x80, v3, vm0, $0xb8;
	[tilespmem:$0x1E200] =	vst v63  }
0x4a: {  	v3 =	vld [tilespmem:$0x20];
	_ =	sdelay $0x4  }
0x4b: {  	v34 =	vshrl.u32 v3, $0x3  }
0x4c: {  	v4 =	vmul.u32 $0x30, v34  }
0x4d: {  	v3 =	vand.u32 $0x7, v3  }
0x4e: {  	v3 =	vor.u32 v3, v4  }
0x4f: {  	v4 =	vperm.xlane v3, v0;
	_ =	sdelay $0x1  }
0x50: {  	v4 =	vadd.s32 v1, v4;
	_ =	sdelay $0x3  }
0x51: {  	s4 =	simm.s32 $0x6200;
	v3 =	vperm.xlane v3, v2  }
0x52: {  	[tilespmem:s4], [sflag:$0x2] =	stream.indirect_vreg.gather [hbm4b:s1+s3], $0x80, v4, vm0, $0xb8;
	[tilespmem:$0x1E200] =	vst v63  }
0x53: {  	s8 =	simm.s32 $0x6A00;
	v3 =	vadd.s32 v1, v3  }
0x54: {  	[tilespmem:s8], [sflag:$0x2] =	stream.indirect_vreg.gather [hbm4b:s5+s3], $0x80, v4, vm0, $0xb8;
	[tilespmem:$0x1E200] =	vst v63  }
0x55: {  	s18 =	simm.s32 $0x7200  }
0x56: {  	[tilespmem:s18], [sflag:$0x2] =	stream.indirect_vreg.gather [hbm4b:s6+s3], $0x80, v4, vm0, $0xb8;
	[tilespmem:$0x1E200] =	vst v63  }
0x57: {  	s12 =	simm.s32 $0x7A00  }
0x58: {  	[tilespmem:s12], [sflag:$0x2] =	stream.indirect_vreg.gather [hbm4b:s1+s3], $0x80, v3, vm0, $0xb8;
	[tilespmem:$0x1E200] =	vst v63  }
0x59: {  	s19 =	simm.s32 $0x8200  }
0x5a: {  	[tilespmem:s19], [sflag:$0x2] =	stream.indirect_vreg.gather [hbm4b:s5+s3], $0x80, v3, vm0, $0xb8;
	[tilespmem:$0x1E200] =	vst v63  }
0x5b: {  	s10 =	simm.s32 $0x8A00  }
0x5c: {  	[tilespmem:s10], [sflag:$0x2] =	stream.indirect_vreg.gather [hbm4b:s6+s3], $0x80, v3, vm0, $0xb8;
	[tilespmem:$0x1E200] =	vst v63  }
0x5d: {  	v3 =	vld [tilespmem:$0x30];
	_ =	sdelay $0x4  }
0x5e: {  	v35 =	vshrl.u32 v3, $0x3  }
0x5f: {  	v4 =	vmul.u32 $0x30, v35  }
0x60: {  	v3 =	vand.u32 $0x7, v3  }
0x61: {  	v3 =	vor.u32 v3, v4  }
0x62: {  	v4 =	vperm.xlane v3, v0;
	_ =	sdelay $0x1  }
0x63: {  	v4 =	vadd.s32 v1, v4;
	_ =	sdelay $0x3  }
0x64: {  	s13 =	simm.s32 $0x9200;
	v3 =	vperm.xlane v3, v2  }
0x65: {  	[tilespmem:s13], [sflag:$0x2] =	stream.indirect_vreg.gather [hbm4b:s1+s3], $0x80, v4, vm0, $0xb8;
	[tilespmem:$0x1E200] =	vst v63  }
0x66: {  	s14 =	simm.s32 $0x9A00;
	v3 =	vadd.s32 v1, v3  }
0x67: {  	[tilespmem:s14], [sflag:$0x2] =	stream.indirect_vreg.gather [hbm4b:s5+s3], $0x80, v4, vm0, $0xb8;
	[tilespmem:$0x1E200] =	vst v63  }
0x68: {  	s15 =	simm.s32 $0xA200  }
0x69: {  	[tilespmem:s15], [sflag:$0x2] =	stream.indirect_vreg.gather [hbm4b:s6+s3], $0x80, v4, vm0, $0xb8;
	[tilespmem:$0x1E200] =	vst v63  }
0x6a: {  	s18 =	simm.s32 $0xAA00  }
0x6b: {  	[tilespmem:s18], [sflag:$0x2] =	stream.indirect_vreg.gather [hbm4b:s1+s3], $0x80, v3, vm0, $0xb8;
	[tilespmem:$0x1E200] =	vst v63  }
0x6c: {  	s19 =	simm.s32 $0xB200  }
0x6d: {  	[tilespmem:s19], [sflag:$0x2] =	stream.indirect_vreg.gather [hbm4b:s5+s3], $0x80, v3, vm0, $0xb8;
	[tilespmem:$0x1E200] =	vst v63  }
0x6e: {  	s10 =	simm.s32 $0xBA00  }
0x6f: {  	[tilespmem:s10], [sflag:$0x2] =	stream.indirect_vreg.gather [hbm4b:s6+s3], $0x80, v3, vm0, $0xb8;
	[tilespmem:$0x1E200] =	vst v63  }
0x70: {  	v3 =	vld [tilespmem:$0x40];
	_ =	sdelay $0x4  }
0x71: {  	v36 =	vshrl.u32 v3, $0x3  }
0x72: {  	v4 =	vmul.u32 $0x30, v36  }
0x73: {  	v3 =	vand.u32 $0x7, v3  }
0x74: {  	v3 =	vor.u32 v3, v4  }
0x75: {  	v4 =	vperm.xlane v3, v0;
	_ =	sdelay $0x1  }
0x76: {  	v4 =	vadd.s32 v1, v4;
	_ =	sdelay $0x3  }
0x77: {  	v3 =	vperm.xlane v3, v2  }
0x78: {  	[tilespmem:s21], [sflag:$0x3] =	stream.indirect_vreg.gather [hbm4b:s1+s3], $0x80, v4, vm0, $0xb8;
	[tilespmem:$0x1E200] =	vst v63  }
0x79: {  	s13 =	simm.s32 $0xCA00;
	v3 =	vadd.s32 v1, v3  }
0x7a: {  	[tilespmem:s13], [sflag:$0x3] =	stream.indirect_vreg.gather [hbm4b:s5+s3], $0x80, v4, vm0, $0xb8;
	[tilespmem:$0x1E200] =	vst v63  }
0x7b: {  	s14 =	simm.s32 $0xD200  }
0x7c: {  	[tilespmem:s14], [sflag:$0x3] =	stream.indirect_vreg.gather [hbm4b:s6+s3], $0x80, v4, vm0, $0xb8;
	[tilespmem:$0x1E200] =	vst v63  }
0x7d: {  	s15 =	simm.s32 $0xDA00  }
0x7e: {  	[tilespmem:s15], [sflag:$0x3] =	stream.indirect_vreg.gather [hbm4b:s1+s3], $0x80, v3, vm0, $0xb8;
	[tilespmem:$0x1E200] =	vst v63  }
0x7f: {  	s18 =	simm.s32 $0xE200  }
0x80: {  	[tilespmem:s18], [sflag:$0x3] =	stream.indirect_vreg.gather [hbm4b:s5+s3], $0x80, v3, vm0, $0xb8;
	[tilespmem:$0x1E200] =	vst v63  }
0x81: {  	s19 =	simm.s32 $0xEA00  }
0x82: {  	[tilespmem:s19], [sflag:$0x3] =	stream.indirect_vreg.gather [hbm4b:s6+s3], $0x80, v3, vm0, $0xb8;
	[tilespmem:$0x1E200] =	vst v63  }
0x83: {  	v3 =	vld [tilespmem:$0x50];
	_ =	sdelay $0x4  }
0x84: {  	v37 =	vshrl.u32 v3, $0x3  }
0x85: {  	v4 =	vmul.u32 $0x30, v37  }
0x86: {  	v3 =	vand.u32 $0x7, v3  }
0x87: {  	v3 =	vor.u32 v3, v4  }
0x88: {  	v4 =	vperm.xlane v3, v0;
	_ =	sdelay $0x1  }
0x89: {  	v4 =	vadd.s32 v1, v4;
	_ =	sdelay $0x3  }
0x8a: {  	s10 =	simm.s32 $0xF200;
	v3 =	vperm.xlane v3, v2  }
0x8b: {  	[tilespmem:s10], [sflag:$0x3] =	stream.indirect_vreg.gather [hbm4b:s1+s3], $0x80, v4, vm0, $0xb8;
	[tilespmem:$0x1E200] =	vst v63  }
0x8c: {  	s13 =	simm.s32 $0xFA00;
	v3 =	vadd.s32 v1, v3  }
0x8d: {  	[tilespmem:s13], [sflag:$0x3] =	stream.indirect_vreg.gather [hbm4b:s5+s3], $0x80, v4, vm0, $0xb8;
	[tilespmem:$0x1E200] =	vst v63  }
0x8e: {  	s14 =	simm.s32 $0x10200  }
0x8f: {  	[tilespmem:s14], [sflag:$0x3] =	stream.indirect_vreg.gather [hbm4b:s6+s3], $0x80, v4, vm0, $0xb8;
	[tilespmem:$0x1E200] =	vst v63  }
0x90: {  	s15 =	simm.s32 $0x10A00  }
0x91: {  	[tilespmem:s15], [sflag:$0x3] =	stream.indirect_vreg.gather [hbm4b:s1+s3], $0x80, v3, vm0, $0xb8;
	[tilespmem:$0x1E200] =	vst v63  }
0x92: {  	s18 =	simm.s32 $0x11200  }
0x93: {  	[tilespmem:s18], [sflag:$0x3] =	stream.indirect_vreg.gather [hbm4b:s5+s3], $0x80, v3, vm0, $0xb8;
	[tilespmem:$0x1E200] =	vst v63  }
0x94: {  	s19 =	simm.s32 $0x11A00  }
0x95: {  	[tilespmem:s19], [sflag:$0x3] =	stream.indirect_vreg.gather [hbm4b:s6+s3], $0x80, v3, vm0, $0xb8;
	[tilespmem:$0x1E200] =	vst v63  }
0x96: {  	_ =	swait.ge [sflag:s0], $0x6000  }
0x97: {  	[sflag:s0] =	ssyncset.done $0x0  }
0x98: {  	s8 =	rddreg [dreg:$0x16];
	[sflag:s0] =	ssyncadd.s32 $0xFFFFA000  }
0x99: {  	[hbm4b:s8+s3] =	stream.linear.scatter [tilespmem:s20], [sflag:$0x6], $0x6000, $0x38;
	[tilespmem:$0x1E200] =	vst v63  }
0x9a: {  	v3 =	vld [tilespmem:$0x60];
	_ =	sdelay $0x4  }
0x9b: {  	v38 =	vshrl.u32 v3, $0x3  }
0x9c: {  	v4 =	vmul.u32 $0x30, v38  }
0x9d: {  	v3 =	vand.u32 $0x7, v3  }
0x9e: {  	v3 =	vor.u32 v3, v4  }
0x9f: {  	v4 =	vperm.xlane v3, v0;
	_ =	sdelay $0x1  }
0xa0: {  	v4 =	vadd.s32 v1, v4;
	_ =	sdelay $0x3  }
0xa1: {  	v3 =	vperm.xlane v3, v2  }
0xa2: {  	[tilespmem:s9], [sflag:$0x4] =	stream.indirect_vreg.gather [hbm4b:s1+s3], $0x80, v4, vm0, $0xb8;
	[tilespmem:$0x1E200] =	vst v63  }
0xa3: {  	s13 =	simm.s32 $0x12A00;
	v3 =	vadd.s32 v1, v3  }
0xa4: {  	[tilespmem:s13], [sflag:$0x4] =	stream.indirect_vreg.gather [hbm4b:s5+s3], $0x80, v4, vm0, $0xb8;
	[tilespmem:$0x1E200] =	vst v63  }
0xa5: {  	s14 =	simm.s32 $0x13200  }
0xa6: {  	[tilespmem:s14], [sflag:$0x4] =	stream.indirect_vreg.gather [hbm4b:s6+s3], $0x80, v4, vm0, $0xb8;
	[tilespmem:$0x1E200] =	vst v63  }
0xa7: {  	s15 =	simm.s32 $0x13A00  }
0xa8: {  	[tilespmem:s15], [sflag:$0x4] =	stream.indirect_vreg.gather [hbm4b:s1+s3], $0x80, v3, vm0, $0xb8;
	[tilespmem:$0x1E200] =	vst v63  }
0xa9: {  	s18 =	simm.s32 $0x14200  }
0xaa: {  	[tilespmem:s18], [sflag:$0x4] =	stream.indirect_vreg.gather [hbm4b:s5+s3], $0x80, v3, vm0, $0xb8;
	[tilespmem:$0x1E200] =	vst v63  }
0xab: {  	s19 =	simm.s32 $0x14A00  }
0xac: {  	[tilespmem:s19], [sflag:$0x4] =	stream.indirect_vreg.gather [hbm4b:s6+s3], $0x80, v3, vm0, $0xb8;
	[tilespmem:$0x1E200] =	vst v63  }
0xad: {  	v3 =	vld [tilespmem:$0x70];
	_ =	sdelay $0x4  }
0xae: {  	v39 =	vshrl.u32 v3, $0x3  }
0xaf: {  	v4 =	vmul.u32 $0x30, v39  }
0xb0: {  	v3 =	vand.u32 $0x7, v3  }
0xb1: {  	v3 =	vor.u32 v3, v4  }
0xb2: {  	v4 =	vperm.xlane v3, v0;
	_ =	sdelay $0x1  }
0xb3: {  	v4 =	vadd.s32 v1, v4;
	_ =	sdelay $0x3  }
0xb4: {  	s10 =	simm.s32 $0x15200;
	v3 =	vperm.xlane v3, v2  }
0xb5: {  	[tilespmem:s10], [sflag:$0x4] =	stream.indirect_vreg.gather [hbm4b:s1+s3], $0x80, v4, vm0, $0xb8;
	[tilespmem:$0x1E200] =	vst v63  }
0xb6: {  	s13 =	simm.s32 $0x15A00;
	v3 =	vadd.s32 v1, v3  }
0xb7: {  	[tilespmem:s13], [sflag:$0x4] =	stream.indirect_vreg.gather [hbm4b:s5+s3], $0x80, v4, vm0, $0xb8;
	[tilespmem:$0x1E200] =	vst v63  }
0xb8: {  	s14 =	simm.s32 $0x16200  }
0xb9: {  	[tilespmem:s14], [sflag:$0x4] =	stream.indirect_vreg.gather [hbm4b:s6+s3], $0x80, v4, vm0, $0xb8;
	[tilespmem:$0x1E200] =	vst v63  }
0xba: {  	s15 =	simm.s32 $0x16A00  }
0xbb: {  	[tilespmem:s15], [sflag:$0x4] =	stream.indirect_vreg.gather [hbm4b:s1+s3], $0x80, v3, vm0, $0xb8;
	[tilespmem:$0x1E200] =	vst v63  }
0xbc: {  	s18 =	simm.s32 $0x17200  }
0xbd: {  	[tilespmem:s18], [sflag:$0x4] =	stream.indirect_vreg.gather [hbm4b:s5+s3], $0x80, v3, vm0, $0xb8;
	[tilespmem:$0x1E200] =	vst v63  }
0xbe: {  	s19 =	simm.s32 $0x17A00  }
0xbf: {  	[tilespmem:s19], [sflag:$0x4] =	stream.indirect_vreg.gather [hbm4b:s6+s3], $0x80, v3, vm0, $0xb8;
	[tilespmem:$0x1E200] =	vst v63  }
0xc0: {  	_ =	swait.ge [sflag:s23], $0x6000  }
0xc1: {  	[sflag:s23] =	ssyncset.done $0x0  }
0xc2: {  	s8 =	rddreg [dreg:$0x5];
	[sflag:s23] =	ssyncadd.s32 $0xFFFFA000  }
0xc3: {  	[hbm4b:s8+s3] =	stream.linear.scatter [tilespmem:s4], [sflag:$0x7], $0x6000, $0x38;
	[tilespmem:$0x1E200] =	vst v63  }
0xc4: {  	v3 =	vld [tilespmem:$0x100];
	_ =	sdelay $0x4  }
0xc5: {  	v40 =	vshrl.u32 v3, $0x3  }
0xc6: {  	v4 =	vmul.u32 $0x30, v40  }
0xc7: {  	v3 =	vand.u32 $0x7, v3  }
0xc8: {  	v3 =	vor.u32 v3, v4  }
0xc9: {  	v4 =	vperm.xlane v3, v0;
	_ =	sdelay $0x1  }
0xca: {  	v4 =	vadd.s32 v1, v4;
	_ =	sdelay $0x3  }
0xcb: {  	v3 =	vperm.xlane v3, v2  }
0xcc: {  	[tilespmem:s24], [sflag:$0x5] =	stream.indirect_vreg.gather [hbm4b:s1+s3], $0x80, v4, vm0, $0xb8;
	[tilespmem:$0x1E200] =	vst v63  }
0xcd: {  	s13 =	simm.s32 $0x18A00;
	v3 =	vadd.s32 v1, v3  }
0xce: {  	[tilespmem:s13], [sflag:$0x5] =	stream.indirect_vreg.gather [hbm4b:s5+s3], $0x80, v4, vm0, $0xb8;
	[tilespmem:$0x1E200] =	vst v63  }
0xcf: {  	s14 =	simm.s32 $0x19200  }
0xd0: {  	[tilespmem:s14], [sflag:$0x5] =	stream.indirect_vreg.gather [hbm4b:s6+s3], $0x80, v4, vm0, $0xb8;
	[tilespmem:$0x1E200] =	vst v63  }
0xd1: {  	s15 =	simm.s32 $0x19A00  }
0xd2: {  	[tilespmem:s15], [sflag:$0x5] =	stream.indirect_vreg.gather [hbm4b:s1+s3], $0x80, v3, vm0, $0xb8;
	[tilespmem:$0x1E200] =	vst v63  }
0xd3: {  	s18 =	simm.s32 $0x1A200  }
0xd4: {  	[tilespmem:s18], [sflag:$0x5] =	stream.indirect_vreg.gather [hbm4b:s5+s3], $0x80, v3, vm0, $0xb8;
	[tilespmem:$0x1E200] =	vst v63  }
0xd5: {  	s19 =	simm.s32 $0x1AA00  }
0xd6: {  	[tilespmem:s19], [sflag:$0x5] =	stream.indirect_vreg.gather [hbm4b:s6+s3], $0x80, v3, vm0, $0xb8;
	[tilespmem:$0x1E200] =	vst v63  }
0xd7: {  	v3 =	vld [tilespmem:$0x110];
	_ =	sdelay $0x4  }
0xd8: {  	v41 =	vshrl.u32 v3, $0x3  }
0xd9: {  	v4 =	vmul.u32 $0x30, v41  }
0xda: {  	v3 =	vand.u32 $0x7, v3  }
0xdb: {  	v3 =	vor.u32 v3, v4  }
0xdc: {  	v4 =	vperm.xlane v3, v0;
	_ =	sdelay $0x1  }
0xdd: {  	v4 =	vadd.s32 v1, v4;
	_ =	sdelay $0x3  }
0xde: {  	s10 =	simm.s32 $0x1B200;
	v3 =	vperm.xlane v3, v2  }
0xdf: {  	[tilespmem:s10], [sflag:$0x5] =	stream.indirect_vreg.gather [hbm4b:s1+s3], $0x80, v4, vm0, $0xb8;
	[tilespmem:$0x1E200] =	vst v63  }
0xe0: {  	s13 =	simm.s32 $0x1BA00;
	v3 =	vadd.s32 v1, v3  }
0xe1: {  	[tilespmem:s13], [sflag:$0x5] =	stream.indirect_vreg.gather [hbm4b:s5+s3], $0x80, v4, vm0, $0xb8;
	[tilespmem:$0x1E200] =	vst v63  }
0xe2: {  	s14 =	simm.s32 $0x1C200  }
0xe3: {  	[tilespmem:s14], [sflag:$0x5] =	stream.indirect_vreg.gather [hbm4b:s6+s3], $0x80, v4, vm0, $0xb8;
	[tilespmem:$0x1E200] =	vst v63  }
0xe4: {  	s15 =	simm.s32 $0x1CA00  }
0xe5: {  	[tilespmem:s15], [sflag:$0x5] =	stream.indirect_vreg.gather [hbm4b:s1+s3], $0x80, v3, vm0, $0xb8;
	[tilespmem:$0x1E200] =	vst v63  }
0xe6: {  	s18 =	simm.s32 $0x1D200  }
0xe7: {  	[tilespmem:s18], [sflag:$0x5] =	stream.indirect_vreg.gather [hbm4b:s5+s3], $0x80, v3, vm0, $0xb8;
	[tilespmem:$0x1E200] =	vst v63  }
0xe8: {  	s19 =	simm.s32 $0x1DA00  }
0xe9: {  	[tilespmem:s19], [sflag:$0x5] =	stream.indirect_vreg.gather [hbm4b:s6+s3], $0x80, v3, vm0, $0xb8;
	[tilespmem:$0x1E200] =	vst v63  }
0xea: {  	_ =	swait.ge [sflag:s29], $0x6000  }
0xeb: {  	[sflag:s29] =	ssyncset.done $0x0  }
0xec: {  	s8 =	rddreg [dreg:$0x6];
	[sflag:s29] =	ssyncadd.s32 $0xFFFFA000  }
0xed: {  	[hbm4b:s8+s3] =	stream.linear.scatter [tilespmem:s21], [sflag:$0x8], $0x6000, $0x38;
	[tilespmem:$0x1E200] =	vst v63  }
0xee: {  	_ =	swait.ge [sflag:s30], $0x6000  }
0xef: {  	[sflag:s30] =	ssyncset.done $0x0  }
0xf0: {  	[sflag:s30] =	ssyncadd.s32 $0xFFFFA000  }
0xf1: {  	v3 =	vld [tilespmem:$0x120];
	_ =	sdelay $0x4  }
0xf2: {  	v42 =	vshrl.u32 v3, $0x3  }
0xf3: {  	v4 =	vmul.u32 $0x30, v42  }
0xf4: {  	v3 =	vand.u32 $0x7, v3  }
0xf5: {  	v3 =	vor.u32 v3, v4  }
0xf6: {  	v4 =	vperm.xlane v3, v0;
	_ =	sdelay $0x1  }
0xf7: {  	v4 =	vadd.s32 v1, v4;
	_ =	sdelay $0x3  }
0xf8: {  	v3 =	vperm.xlane v3, v2  }
0xf9: {  	[tilespmem:s20], [sflag:$0x1] =	stream.indirect_vreg.gather [hbm4b:s1+s3], $0x80, v4, vm0, $0xb8;
	[tilespmem:$0x1E200] =	vst v63  }
0xfa: {  	s8 =	simm.s32 $0xA00;
	v3 =	vadd.s32 v1, v3  }
0xfb: {  	[tilespmem:s8], [sflag:$0x1] =	stream.indirect_vreg.gather [hbm4b:s5+s3], $0x80, v4, vm0, $0xb8;
	[tilespmem:$0x1E200] =	vst v63  }
0xfc: {  	s13 =	simm.s32 $0x1200  }
0xfd: {  	[tilespmem:s13], [sflag:$0x1] =	stream.indirect_vreg.gather [hbm4b:s6+s3], $0x80, v4, vm0, $0xb8;
	[tilespmem:$0x1E200] =	vst v63  }
0xfe: {  	s14 =	simm.s32 $0x1A00  }
0xff: {  	[tilespmem:s14], [sflag:$0x1] =	stream.indirect_vreg.gather [hbm4b:s1+s3], $0x80, v3, vm0, $0xb8;
	[tilespmem:$0x1E200] =	vst v63  }
0x100: {  	s15 =	simm.s32 $0x2200  }
0x101: {  	[tilespmem:s15], [sflag:$0x1] =	stream.indirect_vreg.gather [hbm4b:s5+s3], $0x80, v3, vm0, $0xb8;
	[tilespmem:$0x1E200] =	vst v63  }
0x102: {  	s16 =	simm.s32 $0x2A00  }
0x103: {  	[tilespmem:s16], [sflag:$0x1] =	stream.indirect_vreg.gather [hbm4b:s6+s3], $0x80, v3, vm0, $0xb8;
	[tilespmem:$0x1E200] =	vst v63  }
0x104: {  	v3 =	vld [tilespmem:$0x130];
	_ =	sdelay $0x4  }
0x105: {  	v43 =	vshrl.u32 v3, $0x3  }
0x106: {  	v4 =	vmul.u32 $0x30, v43  }
0x107: {  	v3 =	vand.u32 $0x7, v3  }
0x108: {  	v3 =	vor.u32 v3, v4  }
0x109: {  	v4 =	vperm.xlane v3, v0;
	_ =	sdelay $0x1  }
0x10a: {  	v4 =	vadd.s32 v1, v4;
	_ =	sdelay $0x3  }
0x10b: {  	s17 =	simm.s32 $0x3200;
	v3 =	vperm.xlane v3, v2  }
0x10c: {  	[tilespmem:s17], [sflag:$0x1] =	stream.indirect_vreg.gather [hbm4b:s1+s3], $0x80, v4, vm0, $0xb8;
	[tilespmem:$0x1E200] =	vst v63  }
0x10d: {  	s16 =	simm.s32 $0x3A00;
	v3 =	vadd.s32 v1, v3  }
0x10e: {  	[tilespmem:s16], [sflag:$0x1] =	stream.indirect_vreg.gather [hbm4b:s5+s3], $0x80, v4, vm0, $0xb8;
	[tilespmem:$0x1E200] =	vst v63  }
0x10f: {  	s17 =	simm.s32 $0x4200  }
0x110: {  	[tilespmem:s17], [sflag:$0x1] =	stream.indirect_vreg.gather [hbm4b:s6+s3], $0x80, v4, vm0, $0xb8;
	[tilespmem:$0x1E200] =	vst v63  }
0x111: {  	s18 =	simm.s32 $0x4A00  }
0x112: {  	[tilespmem:s18], [sflag:$0x1] =	stream.indirect_vreg.gather [hbm4b:s1+s3], $0x80, v3, vm0, $0xb8;
	[tilespmem:$0x1E200] =	vst v63  }
0x113: {  	s19 =	simm.s32 $0x5200  }
0x114: {  	[tilespmem:s19], [sflag:$0x1] =	stream.indirect_vreg.gather [hbm4b:s5+s3], $0x80, v3, vm0, $0xb8;
	[tilespmem:$0x1E200] =	vst v63  }
0x115: {  	s11 =	simm.s32 $0x5A00  }
0x116: {  	[tilespmem:s11], [sflag:$0x1] =	stream.indirect_vreg.gather [hbm4b:s6+s3], $0x80, v3, vm0, $0xb8;
	[tilespmem:$0x1E200] =	vst v63  }
0x117: {  	_ =	swait.ge [sflag:s31], $0x6000  }
0x118: {  	[sflag:s31] =	ssyncset.done $0x0  }
0x119: {  	s11 =	rddreg [dreg:$0x7];
	[sflag:s31] =	ssyncadd.s32 $0xFFFFA000  }
0x11a: {  	[hbm4b:s11+s3] =	stream.linear.scatter [tilespmem:s9], [sflag:$0x9], $0x6000, $0x38;
	[tilespmem:$0x1E200] =	vst v63  }
0x11b: {  	_ =	swait.ge [sflag:s2], $0x6000  }
0x11c: {  	[sflag:s2] =	ssyncset.done $0x0  }
0x11d: {  	[sflag:s2] =	ssyncadd.s32 $0xFFFFA000  }
0x11e: {  	v3 =	vld [tilespmem:$0x140];
	_ =	sdelay $0x4  }
0x11f: {  	v44 =	vshrl.u32 v3, $0x3  }
0x120: {  	v4 =	vmul.u32 $0x30, v44  }
0x121: {  	v3 =	vand.u32 $0x7, v3  }
0x122: {  	v3 =	vor.u32 v3, v4  }
0x123: {  	v4 =	vperm.xlane v3, v0;
	_ =	sdelay $0x1  }
0x124: {  	v4 =	vadd.s32 v1, v4;
	_ =	sdelay $0x3  }
0x125: {  	v3 =	vperm.xlane v3, v2  }
0x126: {  	[tilespmem:s4], [sflag:$0x2] =	stream.indirect_vreg.gather [hbm4b:s1+s3], $0x80, v4, vm0, $0xb8;
	[tilespmem:$0x1E200] =	vst v63  }
0x127: {  	s11 =	simm.s32 $0x6A00;
	v3 =	vadd.s32 v1, v3  }
0x128: {  	[tilespmem:s11], [sflag:$0x2] =	stream.indirect_vreg.gather [hbm4b:s5+s3], $0x80, v4, vm0, $0xb8;
	[tilespmem:$0x1E200] =	vst v63  }
0x129: {  	s11 =	simm.s32 $0x7200  }
0x12a: {  	[tilespmem:s11], [sflag:$0x2] =	stream.indirect_vreg.gather [hbm4b:s6+s3], $0x80, v4, vm0, $0xb8;
	[tilespmem:$0x1E200] =	vst v63  }
0x12b: {  	_ = 	snop  }
0x12c: {  	[tilespmem:s12], [sflag:$0x2] =	stream.indirect_vreg.gather [hbm4b:s1+s3], $0x80, v3, vm0, $0xb8;
	[tilespmem:$0x1E200] =	vst v63  }
0x12d: {  	s11 =	simm.s32 $0x8200  }
0x12e: {  	[tilespmem:s11], [sflag:$0x2] =	stream.indirect_vreg.gather [hbm4b:s5+s3], $0x80, v3, vm0, $0xb8;
	[tilespmem:$0x1E200] =	vst v63  }
0x12f: {  	s11 =	simm.s32 $0x8A00  }
0x130: {  	[tilespmem:s11], [sflag:$0x2] =	stream.indirect_vreg.gather [hbm4b:s6+s3], $0x80, v3, vm0, $0xb8;
	[tilespmem:$0x1E200] =	vst v63  }
0x131: {  	v3 =	vld [tilespmem:$0x150];
	_ =	sdelay $0x4  }
0x132: {  	v45 =	vshrl.u32 v3, $0x3  }
0x133: {  	v4 =	vmul.u32 $0x30, v45  }
0x134: {  	v3 =	vand.u32 $0x7, v3  }
0x135: {  	v3 =	vor.u32 v3, v4  }
0x136: {  	v4 =	vperm.xlane v3, v0;
	_ =	sdelay $0x1  }
0x137: {  	v4 =	vadd.s32 v1, v4;
	_ =	sdelay $0x3  }
0x138: {  	s11 =	simm.s32 $0x9200;
	v3 =	vperm.xlane v3, v2  }
0x139: {  	[tilespmem:s11], [sflag:$0x2] =	stream.indirect_vreg.gather [hbm4b:s1+s3], $0x80, v4, vm0, $0xb8;
	[tilespmem:$0x1E200] =	vst v63  }
0x13a: {  	v3 =	vadd.s32 v1, v3;
	s11 =	simm.s32 $0x9A00  }
0x13b: {  	[tilespmem:s11], [sflag:$0x2] =	stream.indirect_vreg.gather [hbm4b:s5+s3], $0x80, v4, vm0, $0xb8;
	[tilespmem:$0x1E200] =	vst v63  }
0x13c: {  	s11 =	simm.s32 $0xA200  }
0x13d: {  	[tilespmem:s11], [sflag:$0x2] =	stream.indirect_vreg.gather [hbm4b:s6+s3], $0x80, v4, vm0, $0xb8;
	[tilespmem:$0x1E200] =	vst v63  }
0x13e: {  	s11 =	simm.s32 $0xAA00  }
0x13f: {  	[tilespmem:s11], [sflag:$0x2] =	stream.indirect_vreg.gather [hbm4b:s1+s3], $0x80, v3, vm0, $0xb8;
	[tilespmem:$0x1E200] =	vst v63  }
0x140: {  	s11 =	simm.s32 $0xB200  }
0x141: {  	[tilespmem:s11], [sflag:$0x2] =	stream.indirect_vreg.gather [hbm4b:s5+s3], $0x80, v3, vm0, $0xb8;
	[tilespmem:$0x1E200] =	vst v63  }
0x142: {  	s11 =	simm.s32 $0xBA00  }
0x143: {  	[tilespmem:s11], [sflag:$0x2] =	stream.indirect_vreg.gather [hbm4b:s6+s3], $0x80, v3, vm0, $0xb8;
	[tilespmem:$0x1E200] =	vst v63  }
0x144: {  	_ =	swait.ge [sflag:s22], $0x6000  }
0x145: {  	[sflag:s22] =	ssyncset.done $0x0  }
0x146: {  	s11 =	rddreg [dreg:$0x8];
	[sflag:s22] =	ssyncadd.s32 $0xFFFFA000  }
0x147: {  	[hbm4b:s11+s3] =	stream.linear.scatter [tilespmem:s24], [sflag:$0xA], $0x6000, $0x38;
	[tilespmem:$0x1E200] =	vst v63  }
0x148: {  	_ =	swait.ge [sflag:s25], $0x6000  }
0x149: {  	[sflag:s25] =	ssyncset.done $0x0  }
0x14a: {  	[sflag:s25] =	ssyncadd.s32 $0xFFFFA000  }
0x14b: {  	v3 =	vld [tilespmem:$0x160];
	_ =	sdelay $0x4  }
0x14c: {  	v46 =	vshrl.u32 v3, $0x3  }
0x14d: {  	v4 =	vmul.u32 $0x30, v46  }
0x14e: {  	v3 =	vand.u32 $0x7, v3  }
0x14f: {  	v3 =	vor.u32 v3, v4  }
0x150: {  	v4 =	vperm.xlane v3, v0;
	_ =	sdelay $0x1  }
0x151: {  	v4 =	vadd.s32 v1, v4;
	_ =	sdelay $0x3  }
0x152: {  	v3 =	vperm.xlane v3, v2  }
0x153: {  	[tilespmem:s21], [sflag:$0x3] =	stream.indirect_vreg.gather [hbm4b:s1+s3], $0x80, v4, vm0, $0xb8;
	[tilespmem:$0x1E200] =	vst v63  }
0x154: {  	s11 =	simm.s32 $0xCA00;
	v3 =	vadd.s32 v1, v3  }
0x155: {  	[tilespmem:s11], [sflag:$0x3] =	stream.indirect_vreg.gather [hbm4b:s5+s3], $0x80, v4, vm0, $0xb8;
	[tilespmem:$0x1E200] =	vst v63  }
0x156: {  	s11 =	simm.s32 $0xD200  }
0x157: {  	[tilespmem:s11], [sflag:$0x3] =	stream.indirect_vreg.gather [hbm4b:s6+s3], $0x80, v4, vm0, $0xb8;
	[tilespmem:$0x1E200] =	vst v63  }
0x158: {  	s11 =	simm.s32 $0xDA00  }
0x159: {  	[tilespmem:s11], [sflag:$0x3] =	stream.indirect_vreg.gather [hbm4b:s1+s3], $0x80, v3, vm0, $0xb8;
	[tilespmem:$0x1E200] =	vst v63  }
0x15a: {  	s11 =	simm.s32 $0xE200  }
0x15b: {  	[tilespmem:s11], [sflag:$0x3] =	stream.indirect_vreg.gather [hbm4b:s5+s3], $0x80, v3, vm0, $0xb8;
	[tilespmem:$0x1E200] =	vst v63  }
0x15c: {  	s11 =	simm.s32 $0xEA00  }
0x15d: {  	[tilespmem:s11], [sflag:$0x3] =	stream.indirect_vreg.gather [hbm4b:s6+s3], $0x80, v3, vm0, $0xb8;
	[tilespmem:$0x1E200] =	vst v63  }
0x15e: {  	v3 =	vld [tilespmem:$0x170];
	_ =	sdelay $0x4  }
0x15f: {  	v47 =	vshrl.u32 v3, $0x3  }
0x160: {  	v4 =	vmul.u32 $0x30, v47  }
0x161: {  	v3 =	vand.u32 $0x7, v3  }
0x162: {  	v3 =	vor.u32 v3, v4  }
0x163: {  	v4 =	vperm.xlane v3, v0;
	_ =	sdelay $0x1  }
0x164: {  	v4 =	vadd.s32 v1, v4;
	_ =	sdelay $0x3  }
0x165: {  	s11 =	simm.s32 $0xF200;
	v3 =	vperm.xlane v3, v2  }
0x166: {  	[tilespmem:s11], [sflag:$0x3] =	stream.indirect_vreg.gather [hbm4b:s1+s3], $0x80, v4, vm0, $0xb8;
	[tilespmem:$0x1E200] =	vst v63  }
0x167: {  	v3 =	vadd.s32 v1, v3;
	s11 =	simm.s32 $0xFA00  }
0x168: {  	[tilespmem:s11], [sflag:$0x3] =	stream.indirect_vreg.gather [hbm4b:s5+s3], $0x80, v4, vm0, $0xb8;
	[tilespmem:$0x1E200] =	vst v63  }
0x169: {  	s11 =	simm.s32 $0x10200  }
0x16a: {  	[tilespmem:s11], [sflag:$0x3] =	stream.indirect_vreg.gather [hbm4b:s6+s3], $0x80, v4, vm0, $0xb8;
	[tilespmem:$0x1E200] =	vst v63  }
0x16b: {  	s11 =	simm.s32 $0x10A00  }
0x16c: {  	[tilespmem:s11], [sflag:$0x3] =	stream.indirect_vreg.gather [hbm4b:s1+s3], $0x80, v3, vm0, $0xb8;
	[tilespmem:$0x1E200] =	vst v63  }
0x16d: {  	s11 =	simm.s32 $0x11200  }
0x16e: {  	[tilespmem:s11], [sflag:$0x3] =	stream.indirect_vreg.gather [hbm4b:s5+s3], $0x80, v3, vm0, $0xb8;
	[tilespmem:$0x1E200] =	vst v63  }
0x16f: {  	s11 =	simm.s32 $0x11A00  }
0x170: {  	[tilespmem:s11], [sflag:$0x3] =	stream.indirect_vreg.gather [hbm4b:s6+s3], $0x80, v3, vm0, $0xb8;
	[tilespmem:$0x1E200] =	vst v63  }
0x171: {  	_ =	swait.ge [sflag:s0], $0x6000  }
0x172: {  	[sflag:s0] =	ssyncset.done $0x0  }
0x173: {  	s11 =	rddreg [dreg:$0x9];
	[sflag:s0] =	ssyncadd.s32 $0xFFFFA000  }
0x174: {  	[hbm4b:s11+s3] =	stream.linear.scatter [tilespmem:s20], [sflag:$0x6], $0x6000, $0x38;
	[tilespmem:$0x1E200] =	vst v63  }
0x175: {  	_ =	swait.ge [sflag:s26], $0x6000  }
0x176: {  	[sflag:s26] =	ssyncset.done $0x0  }
0x177: {  	[sflag:s26] =	ssyncadd.s32 $0xFFFFA000  }
0x178: {  	v3 =	vld [tilespmem:$0x80];
	_ =	sdelay $0x4  }
0x179: {  	v48 =	vshrl.u32 v3, $0x3  }
0x17a: {  	v4 =	vmul.u32 $0x30, v48  }
0x17b: {  	v3 =	vand.u32 $0x7, v3  }
0x17c: {  	v3 =	vor.u32 v3, v4  }
0x17d: {  	v4 =	vperm.xlane v3, v0;
	_ =	sdelay $0x1  }
0x17e: {  	v4 =	vadd.s32 v1, v4;
	_ =	sdelay $0x3  }
0x17f: {  	v3 =	vperm.xlane v3, v2  }
0x180: {  	[tilespmem:s9], [sflag:$0x4] =	stream.indirect_vreg.gather [hbm4b:s1+s3], $0x80, v4, vm0, $0xb8;
	[tilespmem:$0x1E200] =	vst v63  }
0x181: {  	s11 =	simm.s32 $0x12A00;
	v3 =	vadd.s32 v1, v3  }
0x182: {  	[tilespmem:s11], [sflag:$0x4] =	stream.indirect_vreg.gather [hbm4b:s5+s3], $0x80, v4, vm0, $0xb8;
	[tilespmem:$0x1E200] =	vst v63  }
0x183: {  	s11 =	simm.s32 $0x13200  }
0x184: {  	[tilespmem:s11], [sflag:$0x4] =	stream.indirect_vreg.gather [hbm4b:s6+s3], $0x80, v4, vm0, $0xb8;
	[tilespmem:$0x1E200] =	vst v63  }
0x185: {  	s11 =	simm.s32 $0x13A00  }
0x186: {  	[tilespmem:s11], [sflag:$0x4] =	stream.indirect_vreg.gather [hbm4b:s1+s3], $0x80, v3, vm0, $0xb8;
	[tilespmem:$0x1E200] =	vst v63  }
0x187: {  	s11 =	simm.s32 $0x14200  }
0x188: {  	[tilespmem:s11], [sflag:$0x4] =	stream.indirect_vreg.gather [hbm4b:s5+s3], $0x80, v3, vm0, $0xb8;
	[tilespmem:$0x1E200] =	vst v63  }
0x189: {  	s11 =	simm.s32 $0x14A00  }
0x18a: {  	[tilespmem:s11], [sflag:$0x4] =	stream.indirect_vreg.gather [hbm4b:s6+s3], $0x80, v3, vm0, $0xb8;
	[tilespmem:$0x1E200] =	vst v63  }
0x18b: {  	v3 =	vld [tilespmem:$0x90];
	_ =	sdelay $0x4  }
0x18c: {  	v49 =	vshrl.u32 v3, $0x3  }
0x18d: {  	v4 =	vmul.u32 $0x30, v49  }
0x18e: {  	v3 =	vand.u32 $0x7, v3  }
0x18f: {  	v3 =	vor.u32 v3, v4  }
0x190: {  	v4 =	vperm.xlane v3, v0;
	_ =	sdelay $0x1  }
0x191: {  	v4 =	vadd.s32 v1, v4;
	_ =	sdelay $0x3  }
0x192: {  	s11 =	simm.s32 $0x15200;
	v3 =	vperm.xlane v3, v2  }
0x193: {  	[tilespmem:s11], [sflag:$0x4] =	stream.indirect_vreg.gather [hbm4b:s1+s3], $0x80, v4, vm0, $0xb8;
	[tilespmem:$0x1E200] =	vst v63  }
0x194: {  	v3 =	vadd.s32 v1, v3;
	s11 =	simm.s32 $0x15A00  }
0x195: {  	[tilespmem:s11], [sflag:$0x4] =	stream.indirect_vreg.gather [hbm4b:s5+s3], $0x80, v4, vm0, $0xb8;
	[tilespmem:$0x1E200] =	vst v63  }
0x196: {  	s11 =	simm.s32 $0x16200  }
0x197: {  	[tilespmem:s11], [sflag:$0x4] =	stream.indirect_vreg.gather [hbm4b:s6+s3], $0x80, v4, vm0, $0xb8;
	[tilespmem:$0x1E200] =	vst v63  }
0x198: {  	s11 =	simm.s32 $0x16A00  }
0x199: {  	[tilespmem:s11], [sflag:$0x4] =	stream.indirect_vreg.gather [hbm4b:s1+s3], $0x80, v3, vm0, $0xb8;
	[tilespmem:$0x1E200] =	vst v63  }
0x19a: {  	s11 =	simm.s32 $0x17200  }
0x19b: {  	[tilespmem:s11], [sflag:$0x4] =	stream.indirect_vreg.gather [hbm4b:s5+s3], $0x80, v3, vm0, $0xb8;
	[tilespmem:$0x1E200] =	vst v63  }
0x19c: {  	s11 =	simm.s32 $0x17A00  }
0x19d: {  	[tilespmem:s11], [sflag:$0x4] =	stream.indirect_vreg.gather [hbm4b:s6+s3], $0x80, v3, vm0, $0xb8;
	[tilespmem:$0x1E200] =	vst v63  }
0x19e: {  	_ =	swait.ge [sflag:s23], $0x6000  }
0x19f: {  	[sflag:s23] =	ssyncset.done $0x0  }
0x1a0: {  	s11 =	rddreg [dreg:$0xa];
	[sflag:s23] =	ssyncadd.s32 $0xFFFFA000  }
0x1a1: {  	[hbm4b:s11+s3] =	stream.linear.scatter [tilespmem:s4], [sflag:$0x7], $0x6000, $0x38;
	[tilespmem:$0x1E200] =	vst v63  }
0x1a2: {  	_ =	swait.ge [sflag:s28], $0x6000  }
0x1a3: {  	[sflag:s28] =	ssyncset.done $0x0  }
0x1a4: {  	[sflag:s28] =	ssyncadd.s32 $0xFFFFA000  }
0x1a5: {  	v3 =	vld [tilespmem:$0xA0];
	_ =	sdelay $0x4  }
0x1a6: {  	v50 =	vshrl.u32 v3, $0x3  }
0x1a7: {  	v4 =	vmul.u32 $0x30, v50  }
0x1a8: {  	v3 =	vand.u32 $0x7, v3  }
0x1a9: {  	v3 =	vor.u32 v3, v4  }
0x1aa: {  	v4 =	vperm.xlane v3, v0;
	_ =	sdelay $0x1  }
0x1ab: {  	v4 =	vadd.s32 v1, v4;
	_ =	sdelay $0x3  }
0x1ac: {  	v3 =	vperm.xlane v3, v2  }
0x1ad: {  	[tilespmem:s24], [sflag:$0x5] =	stream.indirect_vreg.gather [hbm4b:s1+s3], $0x80, v4, vm0, $0xb8;
	[tilespmem:$0x1E200] =	vst v63  }
0x1ae: {  	s11 =	simm.s32 $0x18A00;
	v3 =	vadd.s32 v1, v3  }
0x1af: {  	[tilespmem:s11], [sflag:$0x5] =	stream.indirect_vreg.gather [hbm4b:s5+s3], $0x80, v4, vm0, $0xb8;
	[tilespmem:$0x1E200] =	vst v63  }
0x1b0: {  	s10 =	simm.s32 $0x19200  }
0x1b1: {  	[tilespmem:s10], [sflag:$0x5] =	stream.indirect_vreg.gather [hbm4b:s6+s3], $0x80, v4, vm0, $0xb8;
	[tilespmem:$0x1E200] =	vst v63  }
0x1b2: {  	s10 =	simm.s32 $0x19A00  }
0x1b3: {  	[tilespmem:s10], [sflag:$0x5] =	stream.indirect_vreg.gather [hbm4b:s1+s3], $0x80, v3, vm0, $0xb8;
	[tilespmem:$0x1E200] =	vst v63  }
0x1b4: {  	s10 =	simm.s32 $0x1A200  }
0x1b5: {  	[tilespmem:s10], [sflag:$0x5] =	stream.indirect_vreg.gather [hbm4b:s5+s3], $0x80, v3, vm0, $0xb8;
	[tilespmem:$0x1E200] =	vst v63  }
0x1b6: {  	s10 =	simm.s32 $0x1AA00  }
0x1b7: {  	[tilespmem:s10], [sflag:$0x5] =	stream.indirect_vreg.gather [hbm4b:s6+s3], $0x80, v3, vm0, $0xb8;
	[tilespmem:$0x1E200] =	vst v63  }
0x1b8: {  	v3 =	vld [tilespmem:$0xB0];
	_ =	sdelay $0x4  }
0x1b9: {  	v51 =	vshrl.u32 v3, $0x3  }
0x1ba: {  	v4 =	vmul.u32 $0x30, v51  }
0x1bb: {  	v3 =	vand.u32 $0x7, v3  }
0x1bc: {  	v3 =	vor.u32 v3, v4  }
0x1bd: {  	v4 =	vperm.xlane v3, v0;
	_ =	sdelay $0x1  }
0x1be: {  	v4 =	vadd.s32 v1, v4;
	_ =	sdelay $0x3  }
0x1bf: {  	s10 =	simm.s32 $0x1B200;
	v3 =	vperm.xlane v3, v2  }
0x1c0: {  	[tilespmem:s10], [sflag:$0x5] =	stream.indirect_vreg.gather [hbm4b:s1+s3], $0x80, v4, vm0, $0xb8;
	[tilespmem:$0x1E200] =	vst v63  }
0x1c1: {  	v3 =	vadd.s32 v1, v3;
	s10 =	simm.s32 $0x1BA00  }
0x1c2: {  	[tilespmem:s10], [sflag:$0x5] =	stream.indirect_vreg.gather [hbm4b:s5+s3], $0x80, v4, vm0, $0xb8;
	[tilespmem:$0x1E200] =	vst v63  }
0x1c3: {  	s10 =	simm.s32 $0x1C200  }
0x1c4: {  	[tilespmem:s10], [sflag:$0x5] =	stream.indirect_vreg.gather [hbm4b:s6+s3], $0x80, v4, vm0, $0xb8;
	[tilespmem:$0x1E200] =	vst v63  }
0x1c5: {  	s10 =	simm.s32 $0x1CA00  }
0x1c6: {  	[tilespmem:s10], [sflag:$0x5] =	stream.indirect_vreg.gather [hbm4b:s1+s3], $0x80, v3, vm0, $0xb8;
	[tilespmem:$0x1E200] =	vst v63  }
0x1c7: {  	s10 =	simm.s32 $0x1D200  }
0x1c8: {  	[tilespmem:s10], [sflag:$0x5] =	stream.indirect_vreg.gather [hbm4b:s5+s3], $0x80, v3, vm0, $0xb8;
	[tilespmem:$0x1E200] =	vst v63  }
0x1c9: {  	s10 =	simm.s32 $0x1DA00  }
0x1ca: {  	[tilespmem:s10], [sflag:$0x5] =	stream.indirect_vreg.gather [hbm4b:s6+s3], $0x80, v3, vm0, $0xb8;
	[tilespmem:$0x1E200] =	vst v63  }
0x1cb: {  	_ =	swait.ge [sflag:s29], $0x6000  }
0x1cc: {  	[sflag:s29] =	ssyncset.done $0x0  }
0x1cd: {  	s10 =	rddreg [dreg:$0xb];
	[sflag:s29] =	ssyncadd.s32 $0xFFFFA000  }
0x1ce: {  	[hbm4b:s10+s3] =	stream.linear.scatter [tilespmem:s21], [sflag:$0x8], $0x6000, $0x38;
	[tilespmem:$0x1E200] =	vst v63  }
0x1cf: {  	_ =	swait.ge [sflag:s30], $0x6000  }
0x1d0: {  	[sflag:s30] =	ssyncset.done $0x0  }
0x1d1: {  	[sflag:s30] =	ssyncadd.s32 $0xFFFFA000  }
0x1d2: {  	v3 =	vld [tilespmem:$0xC0];
	_ =	sdelay $0x4  }
0x1d3: {  	v52 =	vshrl.u32 v3, $0x3  }
0x1d4: {  	v4 =	vmul.u32 $0x30, v52  }
0x1d5: {  	v3 =	vand.u32 $0x7, v3  }
0x1d6: {  	v3 =	vor.u32 v3, v4  }
0x1d7: {  	v4 =	vperm.xlane v3, v0;
	_ =	sdelay $0x1  }
0x1d8: {  	v4 =	vadd.s32 v1, v4;
	_ =	sdelay $0x3  }
0x1d9: {  	v3 =	vperm.xlane v3, v2  }
0x1da: {  	[tilespmem:s20], [sflag:$0x1] =	stream.indirect_vreg.gather [hbm4b:s1+s3], $0x80, v4, vm0, $0xb8;
	[tilespmem:$0x1E200] =	vst v63  }
0x1db: {  	v3 =	vadd.s32 v1, v3  }
0x1dc: {  	[tilespmem:s8], [sflag:$0x1] =	stream.indirect_vreg.gather [hbm4b:s5+s3], $0x80, v4, vm0, $0xb8;
	[tilespmem:$0x1E200] =	vst v63  }
0x1dd: {  	_ = 	snop  }
0x1de: {  	[tilespmem:s13], [sflag:$0x1] =	stream.indirect_vreg.gather [hbm4b:s6+s3], $0x80, v4, vm0, $0xb8;
	[tilespmem:$0x1E200] =	vst v63  }
0x1df: {  	_ = 	snop  }
0x1e0: {  	[tilespmem:s14], [sflag:$0x1] =	stream.indirect_vreg.gather [hbm4b:s1+s3], $0x80, v3, vm0, $0xb8;
	[tilespmem:$0x1E200] =	vst v63  }
0x1e1: {  	_ = 	snop  }
0x1e2: {  	[tilespmem:s15], [sflag:$0x1] =	stream.indirect_vreg.gather [hbm4b:s5+s3], $0x80, v3, vm0, $0xb8;
	[tilespmem:$0x1E200] =	vst v63  }
0x1e3: {  	s10 =	simm.s32 $0x2A00  }
0x1e4: {  	[tilespmem:s10], [sflag:$0x1] =	stream.indirect_vreg.gather [hbm4b:s6+s3], $0x80, v3, vm0, $0xb8;
	[tilespmem:$0x1E200] =	vst v63  }
0x1e5: {  	v3 =	vld [tilespmem:$0xD0];
	_ =	sdelay $0x4  }
0x1e6: {  	v53 =	vshrl.u32 v3, $0x3  }
0x1e7: {  	v4 =	vmul.u32 $0x30, v53  }
0x1e8: {  	v3 =	vand.u32 $0x7, v3  }
0x1e9: {  	v3 =	vor.u32 v3, v4  }
0x1ea: {  	v4 =	vperm.xlane v3, v0;
	_ =	sdelay $0x1  }
0x1eb: {  	v4 =	vadd.s32 v1, v4;
	_ =	sdelay $0x3  }
0x1ec: {  	s10 =	simm.s32 $0x3200;
	v3 =	vperm.xlane v3, v2  }
0x1ed: {  	[tilespmem:s10], [sflag:$0x1] =	stream.indirect_vreg.gather [hbm4b:s1+s3], $0x80, v4, vm0, $0xb8;
	[tilespmem:$0x1E200] =	vst v63  }
0x1ee: {  	v3 =	vadd.s32 v1, v3  }
0x1ef: {  	[tilespmem:s16], [sflag:$0x1] =	stream.indirect_vreg.gather [hbm4b:s5+s3], $0x80, v4, vm0, $0xb8;
	[tilespmem:$0x1E200] =	vst v63  }
0x1f0: {  	_ = 	snop  }
0x1f1: {  	[tilespmem:s17], [sflag:$0x1] =	stream.indirect_vreg.gather [hbm4b:s6+s3], $0x80, v4, vm0, $0xb8;
	[tilespmem:$0x1E200] =	vst v63  }
0x1f2: {  	_ = 	snop  }
0x1f3: {  	[tilespmem:s18], [sflag:$0x1] =	stream.indirect_vreg.gather [hbm4b:s1+s3], $0x80, v3, vm0, $0xb8;
	[tilespmem:$0x1E200] =	vst v63  }
0x1f4: {  	_ = 	snop  }
0x1f5: {  	[tilespmem:s19], [sflag:$0x1] =	stream.indirect_vreg.gather [hbm4b:s5+s3], $0x80, v3, vm0, $0xb8;
	[tilespmem:$0x1E200] =	vst v63  }
0x1f6: {  	s10 =	simm.s32 $0x5A00  }
0x1f7: {  	[tilespmem:s10], [sflag:$0x1] =	stream.indirect_vreg.gather [hbm4b:s6+s3], $0x80, v3, vm0, $0xb8;
	[tilespmem:$0x1E200] =	vst v63  }
0x1f8: {  	_ =	swait.ge [sflag:s31], $0x6000  }
0x1f9: {  	[sflag:s31] =	ssyncset.done $0x0  }
0x1fa: {  	s10 =	rddreg [dreg:$0xc];
	[sflag:s31] =	ssyncadd.s32 $0xFFFFA000  }
0x1fb: {  	[hbm4b:s10+s3] =	stream.linear.scatter [tilespmem:s9], [sflag:$0x9], $0x6000, $0x38;
	[tilespmem:$0x1E200] =	vst v63  }
0x1fc: {  	_ =	swait.ge [sflag:s2], $0x6000  }
0x1fd: {  	[sflag:s2] =	ssyncset.done $0x0  }
0x1fe: {  	[sflag:s2] =	ssyncadd.s32 $0xFFFFA000  }
0x1ff: {  	v3 =	vld [tilespmem:$0xE0];
	_ =	sdelay $0x4  }
0x200: {  	v54 =	vshrl.u32 v3, $0x3  }
0x201: {  	v4 =	vmul.u32 $0x30, v54  }
0x202: {  	v3 =	vand.u32 $0x7, v3  }
0x203: {  	v3 =	vor.u32 v3, v4  }
0x204: {  	v4 =	vperm.xlane v3, v0;
	_ =	sdelay $0x1  }
0x205: {  	v4 =	vadd.s32 v1, v4;
	_ =	sdelay $0x3  }
0x206: {  	v3 =	vperm.xlane v3, v2  }
0x207: {  	[tilespmem:s4], [sflag:$0x2] =	stream.indirect_vreg.gather [hbm4b:s1+s3], $0x80, v4, vm0, $0xb8;
	[tilespmem:$0x1E200] =	vst v63  }
0x208: {  	s10 =	simm.s32 $0x6A00;
	v3 =	vadd.s32 v1, v3  }
0x209: {  	[tilespmem:s10], [sflag:$0x2] =	stream.indirect_vreg.gather [hbm4b:s5+s3], $0x80, v4, vm0, $0xb8;
	[tilespmem:$0x1E200] =	vst v63  }
0x20a: {  	s10 =	simm.s32 $0x7200  }
0x20b: {  	[tilespmem:s10], [sflag:$0x2] =	stream.indirect_vreg.gather [hbm4b:s6+s3], $0x80, v4, vm0, $0xb8;
	[tilespmem:$0x1E200] =	vst v63  }
0x20c: {  	_ = 	snop  }
0x20d: {  	[tilespmem:s12], [sflag:$0x2] =	stream.indirect_vreg.gather [hbm4b:s1+s3], $0x80, v3, vm0, $0xb8;
	[tilespmem:$0x1E200] =	vst v63  }
0x20e: {  	s12 =	simm.s32 $0x8200  }
0x20f: {  	[tilespmem:s12], [sflag:$0x2] =	stream.indirect_vreg.gather [hbm4b:s5+s3], $0x80, v3, vm0, $0xb8;
	[tilespmem:$0x1E200] =	vst v63  }
0x210: {  	s12 =	simm.s32 $0x8A00  }
0x211: {  	[tilespmem:s12], [sflag:$0x2] =	stream.indirect_vreg.gather [hbm4b:s6+s3], $0x80, v3, vm0, $0xb8;
	[tilespmem:$0x1E200] =	vst v63  }
0x212: {  	v3 =	vld [tilespmem:$0xF0];
	_ =	sdelay $0x4  }
0x213: {  	v55 =	vshrl.u32 v3, $0x3  }
0x214: {  	v4 =	vmul.u32 $0x30, v55  }
0x215: {  	v3 =	vand.u32 $0x7, v3  }
0x216: {  	v3 =	vor.u32 v3, v4  }
0x217: {  	v4 =	vperm.xlane v3, v0;
	_ =	sdelay $0x1  }
0x218: {  	v4 =	vadd.s32 v1, v4;
	_ =	sdelay $0x3  }
0x219: {  	s12 =	simm.s32 $0x9200;
	v3 =	vperm.xlane v3, v2  }
0x21a: {  	[tilespmem:s12], [sflag:$0x2] =	stream.indirect_vreg.gather [hbm4b:s1+s3], $0x80, v4, vm0, $0xb8;
	[tilespmem:$0x1E200] =	vst v63  }
0x21b: {  	v3 =	vadd.s32 v1, v3;
	s12 =	simm.s32 $0x9A00  }
0x21c: {  	[tilespmem:s12], [sflag:$0x2] =	stream.indirect_vreg.gather [hbm4b:s5+s3], $0x80, v4, vm0, $0xb8;
	[tilespmem:$0x1E200] =	vst v63  }
0x21d: {  	s12 =	simm.s32 $0xA200  }
0x21e: {  	[tilespmem:s12], [sflag:$0x2] =	stream.indirect_vreg.gather [hbm4b:s6+s3], $0x80, v4, vm0, $0xb8;
	[tilespmem:$0x1E200] =	vst v63  }
0x21f: {  	s12 =	simm.s32 $0xAA00  }
0x220: {  	[tilespmem:s12], [sflag:$0x2] =	stream.indirect_vreg.gather [hbm4b:s1+s3], $0x80, v3, vm0, $0xb8;
	[tilespmem:$0x1E200] =	vst v63  }
0x221: {  	s12 =	simm.s32 $0xB200  }
0x222: {  	[tilespmem:s12], [sflag:$0x2] =	stream.indirect_vreg.gather [hbm4b:s5+s3], $0x80, v3, vm0, $0xb8;
	[tilespmem:$0x1E200] =	vst v63  }
0x223: {  	s12 =	simm.s32 $0xBA00  }
0x224: {  	[tilespmem:s12], [sflag:$0x2] =	stream.indirect_vreg.gather [hbm4b:s6+s3], $0x80, v3, vm0, $0xb8;
	[tilespmem:$0x1E200] =	vst v63  }
0x225: {  	_ =	swait.ge [sflag:s22], $0x6000  }
0x226: {  	[sflag:s22] =	ssyncset.done $0x0  }
0x227: {  	s12 =	rddreg [dreg:$0xd];
	[sflag:s22] =	ssyncadd.s32 $0xFFFFA000  }
0x228: {  	[hbm4b:s12+s3] =	stream.linear.scatter [tilespmem:s24], [sflag:$0xA], $0x6000, $0x38;
	[tilespmem:$0x1E200] =	vst v63  }
0x229: {  	_ =	swait.ge [sflag:s25], $0x6000  }
0x22a: {  	[sflag:s25] =	ssyncset.done $0x0  }
0x22b: {  	[sflag:s25] =	ssyncadd.s32 $0xFFFFA000  }
0x22c: {  	v3 =	vld [tilespmem:$0x180];
	_ =	sdelay $0x4  }
0x22d: {  	v56 =	vshrl.u32 v3, $0x3  }
0x22e: {  	v4 =	vmul.u32 $0x30, v56  }
0x22f: {  	v3 =	vand.u32 $0x7, v3  }
0x230: {  	v3 =	vor.u32 v3, v4  }
0x231: {  	v4 =	vperm.xlane v3, v0;
	_ =	sdelay $0x1  }
0x232: {  	v4 =	vadd.s32 v1, v4;
	_ =	sdelay $0x3  }
0x233: {  	v3 =	vperm.xlane v3, v2  }
0x234: {  	[tilespmem:s21], [sflag:$0x3] =	stream.indirect_vreg.gather [hbm4b:s1+s3], $0x80, v4, vm0, $0xb8;
	[tilespmem:$0x1E200] =	vst v63  }
0x235: {  	s12 =	simm.s32 $0xCA00;
	v3 =	vadd.s32 v1, v3  }
0x236: {  	[tilespmem:s12], [sflag:$0x3] =	stream.indirect_vreg.gather [hbm4b:s5+s3], $0x80, v4, vm0, $0xb8;
	[tilespmem:$0x1E200] =	vst v63  }
0x237: {  	s12 =	simm.s32 $0xD200  }
0x238: {  	[tilespmem:s12], [sflag:$0x3] =	stream.indirect_vreg.gather [hbm4b:s6+s3], $0x80, v4, vm0, $0xb8;
	[tilespmem:$0x1E200] =	vst v63  }
0x239: {  	s12 =	simm.s32 $0xDA00  }
0x23a: {  	[tilespmem:s12], [sflag:$0x3] =	stream.indirect_vreg.gather [hbm4b:s1+s3], $0x80, v3, vm0, $0xb8;
	[tilespmem:$0x1E200] =	vst v63  }
0x23b: {  	s12 =	simm.s32 $0xE200  }
0x23c: {  	[tilespmem:s12], [sflag:$0x3] =	stream.indirect_vreg.gather [hbm4b:s5+s3], $0x80, v3, vm0, $0xb8;
	[tilespmem:$0x1E200] =	vst v63  }
0x23d: {  	s12 =	simm.s32 $0xEA00  }
0x23e: {  	[tilespmem:s12], [sflag:$0x3] =	stream.indirect_vreg.gather [hbm4b:s6+s3], $0x80, v3, vm0, $0xb8;
	[tilespmem:$0x1E200] =	vst v63  }
0x23f: {  	v3 =	vld [tilespmem:$0x190];
	_ =	sdelay $0x4  }
0x240: {  	v57 =	vshrl.u32 v3, $0x3  }
0x241: {  	v4 =	vmul.u32 $0x30, v57  }
0x242: {  	v3 =	vand.u32 $0x7, v3  }
0x243: {  	v3 =	vor.u32 v3, v4  }
0x244: {  	v4 =	vperm.xlane v3, v0;
	_ =	sdelay $0x1  }
0x245: {  	v4 =	vadd.s32 v1, v4;
	_ =	sdelay $0x3  }
0x246: {  	s12 =	simm.s32 $0xF200;
	v3 =	vperm.xlane v3, v2  }
0x247: {  	[tilespmem:s12], [sflag:$0x3] =	stream.indirect_vreg.gather [hbm4b:s1+s3], $0x80, v4, vm0, $0xb8;
	[tilespmem:$0x1E200] =	vst v63  }
0x248: {  	v3 =	vadd.s32 v1, v3;
	s12 =	simm.s32 $0xFA00  }
0x249: {  	[tilespmem:s12], [sflag:$0x3] =	stream.indirect_vreg.gather [hbm4b:s5+s3], $0x80, v4, vm0, $0xb8;
	[tilespmem:$0x1E200] =	vst v63  }
0x24a: {  	s12 =	simm.s32 $0x10200  }
0x24b: {  	[tilespmem:s12], [sflag:$0x3] =	stream.indirect_vreg.gather [hbm4b:s6+s3], $0x80, v4, vm0, $0xb8;
	[tilespmem:$0x1E200] =	vst v63  }
0x24c: {  	s12 =	simm.s32 $0x10A00  }
0x24d: {  	[tilespmem:s12], [sflag:$0x3] =	stream.indirect_vreg.gather [hbm4b:s1+s3], $0x80, v3, vm0, $0xb8;
	[tilespmem:$0x1E200] =	vst v63  }
0x24e: {  	s12 =	simm.s32 $0x11200  }
0x24f: {  	[tilespmem:s12], [sflag:$0x3] =	stream.indirect_vreg.gather [hbm4b:s5+s3], $0x80, v3, vm0, $0xb8;
	[tilespmem:$0x1E200] =	vst v63  }
0x250: {  	s12 =	simm.s32 $0x11A00  }
0x251: {  	[tilespmem:s12], [sflag:$0x3] =	stream.indirect_vreg.gather [hbm4b:s6+s3], $0x80, v3, vm0, $0xb8;
	[tilespmem:$0x1E200] =	vst v63  }
0x252: {  	_ =	swait.ge [sflag:s0], $0x6000  }
0x253: {  	[sflag:s0] =	ssyncset.done $0x0  }
0x254: {  	s12 =	rddreg [dreg:$0xe];
	[sflag:s0] =	ssyncadd.s32 $0xFFFFA000  }
0x255: {  	[hbm4b:s12+s3] =	stream.linear.scatter [tilespmem:s20], [sflag:$0x6], $0x6000, $0x38;
	[tilespmem:$0x1E200] =	vst v63  }
0x256: {  	_ =	swait.ge [sflag:s26], $0x6000  }
0x257: {  	[sflag:s26] =	ssyncset.done $0x0  }
0x258: {  	[sflag:s26] =	ssyncadd.s32 $0xFFFFA000  }
0x259: {  	v3 =	vld [tilespmem:$0x1A0];
	_ =	sdelay $0x4  }
0x25a: {  	v58 =	vshrl.u32 v3, $0x3  }
0x25b: {  	v4 =	vmul.u32 $0x30, v58  }
0x25c: {  	v3 =	vand.u32 $0x7, v3  }
0x25d: {  	v3 =	vor.u32 v3, v4  }
0x25e: {  	v4 =	vperm.xlane v3, v0;
	_ =	sdelay $0x1  }
0x25f: {  	v4 =	vadd.s32 v1, v4;
	_ =	sdelay $0x3  }
0x260: {  	v3 =	vperm.xlane v3, v2  }
0x261: {  	[tilespmem:s9], [sflag:$0x4] =	stream.indirect_vreg.gather [hbm4b:s1+s3], $0x80, v4, vm0, $0xb8;
	[tilespmem:$0x1E200] =	vst v63  }
0x262: {  	s12 =	simm.s32 $0x12A00;
	v3 =	vadd.s32 v1, v3  }
0x263: {  	[tilespmem:s12], [sflag:$0x4] =	stream.indirect_vreg.gather [hbm4b:s5+s3], $0x80, v4, vm0, $0xb8;
	[tilespmem:$0x1E200] =	vst v63  }
0x264: {  	s12 =	simm.s32 $0x13200  }
0x265: {  	[tilespmem:s12], [sflag:$0x4] =	stream.indirect_vreg.gather [hbm4b:s6+s3], $0x80, v4, vm0, $0xb8;
	[tilespmem:$0x1E200] =	vst v63  }
0x266: {  	s12 =	simm.s32 $0x13A00  }
0x267: {  	[tilespmem:s12], [sflag:$0x4] =	stream.indirect_vreg.gather [hbm4b:s1+s3], $0x80, v3, vm0, $0xb8;
	[tilespmem:$0x1E200] =	vst v63  }
0x268: {  	s12 =	simm.s32 $0x14200  }
0x269: {  	[tilespmem:s12], [sflag:$0x4] =	stream.indirect_vreg.gather [hbm4b:s5+s3], $0x80, v3, vm0, $0xb8;
	[tilespmem:$0x1E200] =	vst v63  }
0x26a: {  	s12 =	simm.s32 $0x14A00  }
0x26b: {  	[tilespmem:s12], [sflag:$0x4] =	stream.indirect_vreg.gather [hbm4b:s6+s3], $0x80, v3, vm0, $0xb8;
	[tilespmem:$0x1E200] =	vst v63  }
0x26c: {  	v3 =	vld [tilespmem:$0x1B0];
	_ =	sdelay $0x4  }
0x26d: {  	v59 =	vshrl.u32 v3, $0x3  }
0x26e: {  	v4 =	vmul.u32 $0x30, v59  }
0x26f: {  	v3 =	vand.u32 $0x7, v3  }
0x270: {  	v3 =	vor.u32 v3, v4  }
0x271: {  	v4 =	vperm.xlane v3, v0;
	_ =	sdelay $0x1  }
0x272: {  	v4 =	vadd.s32 v1, v4;
	_ =	sdelay $0x3  }
0x273: {  	s12 =	simm.s32 $0x15200;
	v3 =	vperm.xlane v3, v2  }
0x274: {  	[tilespmem:s12], [sflag:$0x4] =	stream.indirect_vreg.gather [hbm4b:s1+s3], $0x80, v4, vm0, $0xb8;
	[tilespmem:$0x1E200] =	vst v63  }
0x275: {  	v3 =	vadd.s32 v1, v3;
	s12 =	simm.s32 $0x15A00  }
0x276: {  	[tilespmem:s12], [sflag:$0x4] =	stream.indirect_vreg.gather [hbm4b:s5+s3], $0x80, v4, vm0, $0xb8;
	[tilespmem:$0x1E200] =	vst v63  }
0x277: {  	s12 =	simm.s32 $0x16200  }
0x278: {  	[tilespmem:s12], [sflag:$0x4] =	stream.indirect_vreg.gather [hbm4b:s6+s3], $0x80, v4, vm0, $0xb8;
	[tilespmem:$0x1E200] =	vst v63  }
0x279: {  	s12 =	simm.s32 $0x16A00  }
0x27a: {  	[tilespmem:s12], [sflag:$0x4] =	stream.indirect_vreg.gather [hbm4b:s1+s3], $0x80, v3, vm0, $0xb8;
	[tilespmem:$0x1E200] =	vst v63  }
0x27b: {  	s12 =	simm.s32 $0x17200  }
0x27c: {  	[tilespmem:s12], [sflag:$0x4] =	stream.indirect_vreg.gather [hbm4b:s5+s3], $0x80, v3, vm0, $0xb8;
	[tilespmem:$0x1E200] =	vst v63  }
0x27d: {  	s12 =	simm.s32 $0x17A00  }
0x27e: {  	[tilespmem:s12], [sflag:$0x4] =	stream.indirect_vreg.gather [hbm4b:s6+s3], $0x80, v3, vm0, $0xb8;
	[tilespmem:$0x1E200] =	vst v63  }
0x27f: {  	_ =	swait.ge [sflag:s23], $0x6000  }
0x280: {  	[sflag:s23] =	ssyncset.done $0x0  }
0x281: {  	s12 =	rddreg [dreg:$0xf];
	[sflag:s23] =	ssyncadd.s32 $0xFFFFA000  }
0x282: {  	[hbm4b:s12+s3] =	stream.linear.scatter [tilespmem:s4], [sflag:$0x7], $0x6000, $0x38;
	[tilespmem:$0x1E200] =	vst v63  }
0x283: {  	_ =	swait.ge [sflag:s28], $0x6000  }
0x284: {  	[sflag:s28] =	ssyncset.done $0x0  }
0x285: {  	[sflag:s28] =	ssyncadd.s32 $0xFFFFA000  }
0x286: {  	v3 =	vld [tilespmem:$0x1C0];
	_ =	sdelay $0x4  }
0x287: {  	v60 =	vshrl.u32 v3, $0x3  }
0x288: {  	v4 =	vmul.u32 $0x30, v60  }
0x289: {  	v3 =	vand.u32 $0x7, v3  }
0x28a: {  	v3 =	vor.u32 v3, v4  }
0x28b: {  	v4 =	vperm.xlane v3, v0;
	_ =	sdelay $0x1  }
0x28c: {  	v4 =	vadd.s32 v1, v4;
	_ =	sdelay $0x3  }
0x28d: {  	v3 =	vperm.xlane v3, v2  }
0x28e: {  	[tilespmem:s24], [sflag:$0x5] =	stream.indirect_vreg.gather [hbm4b:s1+s3], $0x80, v4, vm0, $0xb8;
	[tilespmem:$0x1E200] =	vst v63  }
0x28f: {  	s11 =	simm.s32 $0x18A00;
	v3 =	vadd.s32 v1, v3  }
0x290: {  	[tilespmem:s11], [sflag:$0x5] =	stream.indirect_vreg.gather [hbm4b:s5+s3], $0x80, v4, vm0, $0xb8;
	[tilespmem:$0x1E200] =	vst v63  }
0x291: {  	s11 =	simm.s32 $0x19200  }
0x292: {  	[tilespmem:s11], [sflag:$0x5] =	stream.indirect_vreg.gather [hbm4b:s6+s3], $0x80, v4, vm0, $0xb8;
	[tilespmem:$0x1E200] =	vst v63  }
0x293: {  	s12 =	simm.s32 $0x19A00  }
0x294: {  	[tilespmem:s12], [sflag:$0x5] =	stream.indirect_vreg.gather [hbm4b:s1+s3], $0x80, v3, vm0, $0xb8;
	[tilespmem:$0x1E200] =	vst v63  }
0x295: {  	s10 =	simm.s32 $0x1A200  }
0x296: {  	[tilespmem:s10], [sflag:$0x5] =	stream.indirect_vreg.gather [hbm4b:s5+s3], $0x80, v3, vm0, $0xb8;
	[tilespmem:$0x1E200] =	vst v63  }
0x297: {  	s11 =	simm.s32 $0x1AA00  }
0x298: {  	[tilespmem:s11], [sflag:$0x5] =	stream.indirect_vreg.gather [hbm4b:s6+s3], $0x80, v3, vm0, $0xb8;
	[tilespmem:$0x1E200] =	vst v63  }
0x299: {  	v3 =	vld [tilespmem:$0x1D0];
	_ =	sdelay $0x4  }
0x29a: {  	v61 =	vshrl.u32 v3, $0x3  }
0x29b: {  	v4 =	vmul.u32 $0x30, v61  }
0x29c: {  	v3 =	vand.u32 $0x7, v3  }
0x29d: {  	v3 =	vor.u32 v3, v4  }
0x29e: {  	v4 =	vperm.xlane v3, v0;
	_ =	sdelay $0x1  }
0x29f: {  	v4 =	vadd.s32 v1, v4;
	_ =	sdelay $0x3  }
0x2a0: {  	s12 =	simm.s32 $0x1B200;
	v3 =	vperm.xlane v3, v2  }
0x2a1: {  	[tilespmem:s12], [sflag:$0x5] =	stream.indirect_vreg.gather [hbm4b:s1+s3], $0x80, v4, vm0, $0xb8;
	[tilespmem:$0x1E200] =	vst v63  }
0x2a2: {  	s10 =	simm.s32 $0x1BA00;
	v3 =	vadd.s32 v1, v3  }
0x2a3: {  	[tilespmem:s10], [sflag:$0x5] =	stream.indirect_vreg.gather [hbm4b:s5+s3], $0x80, v4, vm0, $0xb8;
	[tilespmem:$0x1E200] =	vst v63  }
0x2a4: {  	s11 =	simm.s32 $0x1C200  }
0x2a5: {  	[tilespmem:s11], [sflag:$0x5] =	stream.indirect_vreg.gather [hbm4b:s6+s3], $0x80, v4, vm0, $0xb8;
	[tilespmem:$0x1E200] =	vst v63  }
0x2a6: {  	s12 =	simm.s32 $0x1CA00  }
0x2a7: {  	[tilespmem:s12], [sflag:$0x5] =	stream.indirect_vreg.gather [hbm4b:s1+s3], $0x80, v3, vm0, $0xb8;
	[tilespmem:$0x1E200] =	vst v63  }
0x2a8: {  	s10 =	simm.s32 $0x1D200  }
0x2a9: {  	[tilespmem:s10], [sflag:$0x5] =	stream.indirect_vreg.gather [hbm4b:s5+s3], $0x80, v3, vm0, $0xb8;
	[tilespmem:$0x1E200] =	vst v63  }
0x2aa: {  	s11 =	simm.s32 $0x1DA00  }
0x2ab: {  	[tilespmem:s11], [sflag:$0x5] =	stream.indirect_vreg.gather [hbm4b:s6+s3], $0x80, v3, vm0, $0xb8;
	[tilespmem:$0x1E200] =	vst v63  }
0x2ac: {  	_ =	swait.ge [sflag:s29], $0x6000  }
0x2ad: {  	[sflag:s29] =	ssyncset.done $0x0  }
0x2ae: {  	s12 =	rddreg [dreg:$0x10];
	[sflag:s29] =	ssyncadd.s32 $0xFFFFA000  }
0x2af: {  	[hbm4b:s12+s3] =	stream.linear.scatter [tilespmem:s21], [sflag:$0x8], $0x6000, $0x38;
	[tilespmem:$0x1E200] =	vst v63  }
0x2b0: {  	_ =	swait.ge [sflag:s30], $0x6000  }
0x2b1: {  	[sflag:s30] =	ssyncset.done $0x0  }
0x2b2: {  	[sflag:s30] =	ssyncadd.s32 $0xFFFFA000  }
0x2b3: {  	v3 =	vld [tilespmem:$0x1E0];
	_ =	sdelay $0x4  }
0x2b4: {  	v62 =	vshrl.u32 v3, $0x3  }
0x2b5: {  	v4 =	vmul.u32 $0x30, v62  }
0x2b6: {  	v3 =	vand.u32 $0x7, v3  }
0x2b7: {  	v3 =	vor.u32 v3, v4  }
0x2b8: {  	v4 =	vperm.xlane v3, v0;
	_ =	sdelay $0x1  }
0x2b9: {  	v4 =	vadd.s32 v1, v4;
	_ =	sdelay $0x3  }
0x2ba: {  	v3 =	vperm.xlane v3, v2  }
0x2bb: {  	[tilespmem:s20], [sflag:$0x1] =	stream.indirect_vreg.gather [hbm4b:s1+s3], $0x80, v4, vm0, $0xb8;
	[tilespmem:$0x1E200] =	vst v63  }
0x2bc: {  	s8 =	simm.s32 $0xA00;
	v3 =	vadd.s32 v1, v3  }
0x2bd: {  	[tilespmem:s8], [sflag:$0x1] =	stream.indirect_vreg.gather [hbm4b:s5+s3], $0x80, v4, vm0, $0xb8;
	[tilespmem:$0x1E200] =	vst v63  }
0x2be: {  	s13 =	simm.s32 $0x1200  }
0x2bf: {  	[tilespmem:s13], [sflag:$0x1] =	stream.indirect_vreg.gather [hbm4b:s6+s3], $0x80, v4, vm0, $0xb8;
	[tilespmem:$0x1E200] =	vst v63  }
0x2c0: {  	s14 =	simm.s32 $0x1A00  }
0x2c1: {  	[tilespmem:s14], [sflag:$0x1] =	stream.indirect_vreg.gather [hbm4b:s1+s3], $0x80, v3, vm0, $0xb8;
	[tilespmem:$0x1E200] =	vst v63  }
0x2c2: {  	s15 =	simm.s32 $0x2200  }
0x2c3: {  	[tilespmem:s15], [sflag:$0x1] =	stream.indirect_vreg.gather [hbm4b:s5+s3], $0x80, v3, vm0, $0xb8;
	[tilespmem:$0x1E200] =	vst v63  }
0x2c4: {  	s14 =	simm.s32 $0x2A00  }
0x2c5: {  	[tilespmem:s14], [sflag:$0x1] =	stream.indirect_vreg.gather [hbm4b:s6+s3], $0x80, v3, vm0, $0xb8;
	[tilespmem:$0x1E200] =	vst v63  }
0x2c6: {  	v3 =	vld [tilespmem:$0x1F0];
	_ =	sdelay $0x4  }
0x2c7: {  	v63 =	vshrl.u32 v3, $0x3  }
0x2c8: {  	v4 =	vmul.u32 $0x30, v63  }
0x2c9: {  	v3 =	vand.u32 $0x7, v3  }
0x2ca: {  	v3 =	vor.u32 v3, v4  }
0x2cb: {  	v4 =	vperm.xlane v3, v0;
	_ =	sdelay $0x1  }
0x2cc: {  	v4 =	vadd.s32 v1, v4;
	_ =	sdelay $0x3  }
0x2cd: {  	s15 =	simm.s32 $0x3200;
	v3 =	vperm.xlane v3, v2  }
0x2ce: {  	[tilespmem:s15], [sflag:$0x1] =	stream.indirect_vreg.gather [hbm4b:s1+s3], $0x80, v4, vm0, $0xb8;
	[tilespmem:$0x1E200] =	vst v63  }
0x2cf: {  	s16 =	simm.s32 $0x3A00;
	v3 =	vadd.s32 v1, v3  }
0x2d0: {  	[tilespmem:s16], [sflag:$0x1] =	stream.indirect_vreg.gather [hbm4b:s5+s3], $0x80, v4, vm0, $0xb8;
	[tilespmem:$0x1E200] =	vst v63  }
0x2d1: {  	s17 =	simm.s32 $0x4200  }
0x2d2: {  	[tilespmem:s17], [sflag:$0x1] =	stream.indirect_vreg.gather [hbm4b:s6+s3], $0x80, v4, vm0, $0xb8;
	[tilespmem:$0x1E200] =	vst v63  }
0x2d3: {  	s18 =	simm.s32 $0x4A00  }
0x2d4: {  	[tilespmem:s18], [sflag:$0x1] =	stream.indirect_vreg.gather [hbm4b:s1+s3], $0x80, v3, vm0, $0xb8;
	[tilespmem:$0x1E200] =	vst v63  }
0x2d5: {  	s19 =	simm.s32 $0x5200  }
0x2d6: {  	[tilespmem:s19], [sflag:$0x1] =	stream.indirect_vreg.gather [hbm4b:s5+s3], $0x80, v3, vm0, $0xb8;
	[tilespmem:$0x1E200] =	vst v63  }
0x2d7: {  	s16 =	simm.s32 $0x5A00  }
0x2d8: {  	[tilespmem:s16], [sflag:$0x1] =	stream.indirect_vreg.gather [hbm4b:s6+s3], $0x80, v3, vm0, $0xb8;
	[tilespmem:$0x1E200] =	vst v63  }
0x2d9: {  	_ =	swait.ge [sflag:s31], $0x6000  }
0x2da: {  	[sflag:s31] =	ssyncset.done $0x0  }
0x2db: {  	s17 =	rddreg [dreg:$0x11];
	[sflag:s31] =	ssyncadd.s32 $0xFFFFA000  }
0x2dc: {  	[hbm4b:s17+s3] =	stream.linear.scatter [tilespmem:s9], [sflag:$0x9], $0x6000, $0x38;
	[tilespmem:$0x1E200] =	vst v63  }
0x2dd: {  	_ =	swait.ge [sflag:s22], $0x6000  }
0x2de: {  	[sflag:s22] =	ssyncset.done $0x0  }
0x2df: {  	s18 =	rddreg [dreg:$0x12];
	[sflag:s22] =	ssyncadd.s32 $0xFFFFA000  }
0x2e0: {  	[hbm4b:s18+s3] =	stream.linear.scatter [tilespmem:s24], [sflag:$0xA], $0x6000, $0x38;
	[tilespmem:$0x1E200] =	vst v63  }
0x2e1: {  	_ =	swait.ge [sflag:s0], $0x6000  }
0x2e2: {  	[sflag:s0] =	ssyncset.done $0x0  }
0x2e3: {  	s19 =	rddreg [dreg:$0x13];
	[sflag:s0] =	ssyncadd.s32 $0xFFFFA000  }
0x2e4: {  	[hbm4b:s19+s3] =	stream.linear.scatter [tilespmem:s20], [sflag:$0x6], $0x6000, $0x38;
	[tilespmem:$0x1E200] =	vst v63  }
0x2e5: {  	_ =	swait.ge [sflag:s2], $0x6000  }
0x2e6: {  	[sflag:s2] =	ssyncset.done $0x0  }
0x2e7: {  	[sflag:s2] =	ssyncadd.s32 $0xFFFFA000  }
0x2e8: {  	_ =	swait.ge [sflag:s25], $0x6000  }
0x2e9: {  	[sflag:s25] =	ssyncset.done $0x0  }
0x2ea: {  	[sflag:s25] =	ssyncadd.s32 $0xFFFFA000  }
0x2eb: {  	_ =	swait.ge [sflag:s26], $0x6000  }
0x2ec: {  	[sflag:s26] =	ssyncset.done $0x0  }
0x2ed: {  	[sflag:s26] =	ssyncadd.s32 $0xFFFFA000  }
0x2ee: {  	p0 =	sne.s32 s7, $0x1;
	_ =	swait.ge [sflag:s28], $0x6000  }
.Ltmp0:
0x2ef: {  	[sflag:s28] =	ssyncset.done $0x0;
	(pc) =	sbr.rel @p0 .LBB2_1-.Ltmp0, $4  }
0x2f0: {  	[sflag:s28] =	ssyncadd.s32 $0xFFFFA000  }
0x2f1: {  	_ =	swait.ge [sflag:s30], $0x6000  }
0x2f2: {  	[sflag:s30] =	ssyncset.done $0x0  }
0x2f3: {  	s7 =	sadd.s32 $0xFFFFFFFF, s7;
	[sflag:s30] =	ssyncadd.s32 $0xFFFFA000  }
0x2f4: {  	_ =	sfence.sel $0x180000  }
0x2f5: {  	[bflag:$0x0] =	sbarrier.arrive $0xFFFF  }
0x2f6: {  	_ =	strace $0x90000047  }
0x2f7: {  	s0 =	stileid.u32;
	[bflag:$0x2] =	sbarrier.arrive $0xFFFF  }
0x2f8: {  	p0 =	sne.s32 s0, $0x0;
	s0 =	rddreg [dreg:$0x3]  }
0x2f9: {  	s0 =	sadd.s32 @!p0 $0x100000, s0  }
0x2fa: {  	[sflag:s0] =	ssyncadd.tile.s32 @!p0 $0x1;
	_ =	shalt  }
.Lfunc_end2:
_tile_overlayer_lowered:
.L_overlay_start_2:
0x2fb: {  	(tag) =	ssettag $0x2  }
0x2fc: {  	s0 =	rddreg [dreg:$0x0];
	s2 =	stileid.u32  }
0x2fd: {  	s1 =	rddreg [dreg:$0x1];
	p0 =	sne.s32 s2, $0x0  }
0x2fe: {  	s3 =	rddreg [dreg:$0x2];
	[bflag:$0x3] =	sbarrier.arrive $0xFFFF;
	s2 =	simm.s32 @!p0 $0x1C0B  }
0x2ff: {  	[timem:s3], [sflag:s2] =	dma.local @!p0 [hbm:s0], s1  }
0x300: {  	s0 =	simm.s32 @!p0 $0xB  }
0x301: {  	_ =	swait.ge @!p0 [sflag:s0], s1  }
0x302: {  	s1 =	ssub.s32 @!p0 $0x0, s1;
	[sflag:s0] =	ssyncset.done @!p0 $0x0  }
0x303: {  	[sflag:s0] =	ssyncadd.s32 @!p0 s1  }
0x304: {  	[bflag:$0x3] =	sbarrier.arrive $0xFFFF  }
0x305: {  	_ =	shalt  }

</sc_bundles>
